<compile_context>
chip_gen: v7x
topology: tpu7x:2x2x1
jax: 0.10.2.dev20260603
libtpu: 0.0.44.dev20260713+nightly
codegen_flags: <defaults>
</compile_context>

<pallas_src>
import functools

import jax
import jax.numpy as jnp
from jax import lax
from jax.experimental import pallas as pl
from jax.experimental.pallas import tpu as pltpu
from jax.experimental.pallas import tpu_sc as plsc

MAX_POS = 32768
HEAD_DIM = 128
CACHE_DIM = 2 * HEAD_DIM

NUM_CORES = 2
NUM_SUBCORES = 16
NW = NUM_CORES * NUM_SUBCORES

BATCH = 4
SEQ = 8192
W_PER_B = NW // BATCH
PER_W = SEQ // W_PER_B
CHUNK = 128
NCH = PER_W // CHUNK
NBUF = 3
LOOK = 2


def _rotary_gather_body(cache, idx, cos_out, sin_out, idx_raw, rows, gsem, wsem):
    wid = lax.axis_index("s") * NUM_CORES + lax.axis_index("c")
    bi = wid // W_PER_B
    col = (wid % W_PER_B) * PER_W

    pltpu.sync_copy(idx.at[bi, pl.ds(col, PER_W)], idx_raw)

    def fire_gather(c, b):
        pltpu.async_copy(
            cache.at[idx_raw.at[pl.ds(c * CHUNK, CHUNK)]], rows.at[b],
            gsem.at[b]
        )

    def fire_writes(c, b):
        dst = pl.ds(col + c * CHUNK, CHUNK)
        pltpu.async_copy(rows.at[b, :, pl.ds(0, HEAD_DIM)],
                         cos_out.at[bi, dst], wsem.at[b])
        pltpu.async_copy(rows.at[b, :, pl.ds(HEAD_DIM, HEAD_DIM)],
                         sin_out.at[bi, dst], wsem.at[b])

    def drain_writes(c, b):
        dst = pl.ds(col + c * CHUNK, CHUNK)
        pltpu.make_async_copy(rows.at[b, :, pl.ds(0, HEAD_DIM)],
                              cos_out.at[bi, dst], wsem.at[b]).wait()
        pltpu.make_async_copy(rows.at[b, :, pl.ds(HEAD_DIM, HEAD_DIM)],
                              sin_out.at[bi, dst], wsem.at[b]).wait()

    def drain_gather(b):
        pltpu.make_async_copy(cache.at[pl.ds(0, CHUNK)], rows.at[b],
                              gsem.at[b]).wait()

    for c in range(LOOK):
        fire_gather(c, c)

    def step(c, carry):
        b = c % NBUF

        @pl.when(c + LOOK < NCH)
        def _fire_next():
            nb = (c + LOOK) % NBUF
            @pl.when(c + LOOK >= NBUF)
            def _drain():
                drain_writes(c + LOOK - NBUF, nb)

            fire_gather(c + LOOK, nb)

        drain_gather(b)
        fire_writes(c, b)
        return carry

    lax.fori_loop(0, NCH, step, 0)

    for c in range(NCH - NBUF, NCH):
        drain_writes(c, c % NBUF)


@jax.jit
def _rotary_gather(cache, idx):
    mesh = plsc.VectorSubcoreMesh(core_axis_name="c", subcore_axis_name="s")
    out_ty = jax.ShapeDtypeStruct((BATCH, SEQ, HEAD_DIM), jnp.float32)
    run = pl.kernel(
        _rotary_gather_body,
        out_type=(out_ty, out_ty),
        mesh=mesh,
        scratch_types=[
            pltpu.VMEM((PER_W,), jnp.int32),
            pltpu.VMEM((NBUF, CHUNK, CACHE_DIM), jnp.float32),
            pltpu.SemaphoreType.DMA((NBUF,)),
            pltpu.SemaphoreType.DMA((NBUF,)),
        ],
    )
    return run(cache, idx)


def kernel(x, position_ids, cos_sin_cache):
    del x
    return _rotary_gather(cos_sin_cache, position_ids)

# --- scband reference (transcript-rebuilt; emitter-appended) ---
"""Pipeline reference for scband-caching-rotary-emb-75823352643756 (READ-ONLY COPY).

The authoritative reference and input builder live on the scoring server;
editing this copy changes nothing except your own understanding.
"""

import jax, jax.numpy as jnp
import numpy as np

MAX_POS = 32768
HEAD_DIM = 128
BATCH = 4
SEQ_LEN = 8192


def _build_cos_sin_cache():
    # Faithful to LLaMA-style rotary embedding precomputation:
    # inv_freq over even dims, freqs = outer(pos, inv_freq), emb = cat(freqs, freqs),
    # then the module caches cat([cos, sin], dim=-1).squeeze() -> [MAX_POS, 2*HEAD_DIM]
    inv_freq = 1.0 / (10000.0 ** (np.arange(0, HEAD_DIM, 2, dtype=np.float32) / HEAD_DIM))
    t = np.arange(MAX_POS, dtype=np.float32)
    freqs = np.outer(t, inv_freq)  # [MAX_POS, HEAD_DIM//2]
    emb = np.concatenate([freqs, freqs], axis=-1)  # [MAX_POS, HEAD_DIM]
    cos = np.cos(emb).astype(np.float32)
    sin = np.sin(emb).astype(np.float32)
    return jnp.asarray(np.concatenate([cos, sin], axis=-1))  # [MAX_POS, 2*HEAD_DIM]


def setup_inputs(seed: int = 0) -> dict:
    key = jax.random.key(seed)
    k1, k2 = jax.random.split(key)
    x = jax.random.normal(k1, (BATCH, SEQ_LEN), dtype=jnp.float32)
    position_ids = jax.random.randint(k2, (BATCH, SEQ_LEN), 0, MAX_POS, dtype=jnp.int32)
    cos_sin_cache = _build_cos_sin_cache()
    return {"x": x, "position_ids": position_ids, "cos_sin_cache": cos_sin_cache}


def reference(x, position_ids, cos_sin_cache):
    # cache-hit path: cos_sin_cache.index_select(0, position_ids.flatten())
    #                 .reshape(B, -1, cache_dim).chunk(2, dim=-1)
    bs = position_ids.shape[0]
    flat = position_ids.reshape(-1)
    gathered = jnp.take(cos_sin_cache, flat, axis=0)  # [B*S, 2*HEAD_DIM]
    pos_emb = gathered.reshape(bs, -1, cos_sin_cache.shape[-1])  # [B, S, 2*HEAD_DIM]
    cos, sin = jnp.split(pos_emb, 2, axis=-1)  # each [B, S, HEAD_DIM]
    return (cos, sin)

if __name__ == "__main__":
    import jax
    _d = setup_inputs()
    print(jax.jit(kernel)(*tuple(_d.values())))

</pallas_src>

<mosaic_0001>
#map = affine_map<(d0, d1) -> (0, 0)>
#map1 = affine_map<(d0, d1) -> (0, 0, 0)>
module attributes {stable_mosaic.version = 14 : i64} {
  func.func @_rotary_gather_body(%arg0: i32, %arg1: i32, %arg2: memref<32768x256xf32, #tpu.memory_space<hbm>>, %arg3: memref<4x8192xi32, #tpu.memory_space<hbm>>, %arg4: memref<4x8192x128xf32, #tpu.memory_space<hbm>>, %arg5: memref<4x8192x128xf32, #tpu.memory_space<hbm>>, %arg6: memref<1024xi32, #tpu.memory_space<vmem>>, %arg7: memref<3x128x256xf32, #tpu.memory_space<vmem>>, %arg8: memref<3x!tpu.dma_semaphore, #tpu.memory_space<semaphore_mem>>, %arg9: memref<3x!tpu.dma_semaphore, #tpu.memory_space<semaphore_mem>>) attributes {dimension_semantics = [#tpu.dimension_semantics<core_parallel>, #tpu.dimension_semantics<subcore_parallel>], iteration_bounds = array<i64: 2, 16>, scalar_prefetch = 0 : i64, scratch_operands = 4 : i64, tpu.core_type = #tpu.core_type<sc_vector_subcore>, window_params = [{transform_indices = #map}, {transform_indices = #map}, {transform_indices = #map1}, {transform_indices = #map1}]} {
    %mul3A = arith.constant 2 : i32
    %mul3A_0 = arith.muli %arg1, %mul3A : i32
    %add3A = arith.addi %mul3A_0, %arg0 : i32
    %jit3A = arith.constant 8 : i32
    %div3A = arith.divsi %add3A, %jit3A : i32
    %sign3A = arith.constant 0 : i32
    %sign3A_1 = arith.cmpi sgt, %add3A, %sign3A : i32
    %sign3A_2 = arith.extui %sign3A_1 : i1 to i32
    %sign3A_3 = arith.constant 0 : i32
    %sign3A_4 = arith.cmpi slt, %add3A, %sign3A_3 : i32
    %sign3A_5 = arith.extui %sign3A_4 : i1 to i32
    %sign3A_6 = arith.subi %sign3A_2, %sign3A_5 : i32
    %sign3A_7 = arith.constant 0 : i32
    %sign3A_8 = arith.cmpi sgt, %jit3A, %sign3A_7 : i32
    %sign3A_9 = arith.extui %sign3A_8 : i1 to i32
    %sign3A_10 = arith.constant 0 : i32
    %sign3A_11 = arith.cmpi slt, %jit3A, %sign3A_10 : i32
    %sign3A_12 = arith.extui %sign3A_11 : i1 to i32
    %sign3A_13 = arith.subi %sign3A_9, %sign3A_12 : i32
    %ne3A = arith.cmpi ne, %sign3A_6, %sign3A_13 : i32
    %rem3A = arith.remsi %add3A, %jit3A : i32
    %ne3A_14 = arith.constant 0 : i32
    %ne3A_15 = arith.cmpi ne, %rem3A, %ne3A_14 : i32
    %and3A = arith.andi %ne3A, %ne3A_15 : i1
    %sub3A = arith.constant 1 : i32
    %sub3A_16 = arith.subi %div3A, %sub3A : i32
    %select_n3A = arith.select %and3A, %sub3A_16, %div3A : i32
    %jit3A_17 = arith.constant 8 : i32
    %eq3A = arith.constant 0 : i32
    %eq3A_18 = arith.cmpi eq, %jit3A_17, %eq3A : i32
    %jit3A_19 = arith.constant 1 : i32
    %select_n3A_20 = arith.select %eq3A_18, %jit3A_19, %jit3A_17 : i32
    %rem3A_21 = arith.remsi %add3A, %select_n3A_20 : i32
    %ne3A_22 = arith.constant 0 : i32
    %ne3A_23 = arith.cmpi ne, %rem3A_21, %ne3A_22 : i32
    %lt3A = arith.constant 0 : i32
    %lt3A_24 = arith.cmpi slt, %rem3A_21, %lt3A : i32
    %lt3A_25 = arith.constant 0 : i32
    %lt3A_26 = arith.cmpi slt, %select_n3A_20, %lt3A_25 : i32
    %ne3A_27 = arith.xori %lt3A_24, %lt3A_26 : i1
    %and3A_28 = arith.andi %ne3A_27, %ne3A_23 : i1
    %add3A_29 = arith.addi %rem3A_21, %select_n3A_20 : i32
    %select_n3A_30 = arith.select %and3A_28, %add3A_29, %rem3A_21 : i32
    %mul3A_31 = arith.constant 1024 : i32
    %mul3A_32 = arith.muli %select_n3A_30, %mul3A_31 : i32
    "tpu.region"() ({
      %run_scoped3A = tpu.sem_alloc : memref<!tpu.dma_semaphore, #tpu.memory_space<semaphore_mem>>
      %dma_start3A_176 = tpu.memref_slice %arg3[%select_n3A, %mul3A_32] : memref<4x8192xi32, #tpu.memory_space<hbm>> -> memref<1x1024xi32, #tpu.memory_space<hbm>>
      %dma_start3A_177 = tpu.memref_squeeze %dma_start3A_176 : memref<1x1024xi32, #tpu.memory_space<hbm>> -> memref<1024xi32, #tpu.memory_space<hbm>>
      %dma_start3A_178 = tpu.memref_slice %arg3[%select_n3A, %mul3A_32] : memref<4x8192xi32, #tpu.memory_space<hbm>> -> memref<1x1024xi32, #tpu.memory_space<hbm>>
      %dma_start3A_179 = tpu.memref_squeeze %dma_start3A_178 : memref<1x1024xi32, #tpu.memory_space<hbm>> -> memref<1024xi32, #tpu.memory_space<hbm>>
      tpu.enqueue_dma source(%dma_start3A_179 : memref<1024xi32, #tpu.memory_space<hbm>>) target(%arg6 : memref<1024xi32, #tpu.memory_space<vmem>>) target_semaphore(%run_scoped3A : memref<!tpu.dma_semaphore, #tpu.memory_space<semaphore_mem>>)
      %dma_wait3A_180 = tpu.memref_slice %arg3[%select_n3A, %mul3A_32] : memref<4x8192xi32, #tpu.memory_space<hbm>> -> memref<1x1024xi32, #tpu.memory_space<hbm>>
      %dma_wait3A_181 = tpu.memref_squeeze %dma_wait3A_180 : memref<1x1024xi32, #tpu.memory_space<hbm>> -> memref<1024xi32, #tpu.memory_space<hbm>>
      %dma_wait3A_182 = tpu.memref_slice %arg3[%select_n3A, %mul3A_32] : memref<4x8192xi32, #tpu.memory_space<hbm>> -> memref<1x1024xi32, #tpu.memory_space<hbm>>
      %dma_wait3A_183 = tpu.memref_squeeze %dma_wait3A_182 : memref<1x1024xi32, #tpu.memory_space<hbm>> -> memref<1024xi32, #tpu.memory_space<hbm>>
      tpu.wait_dma2 semaphore(%run_scoped3A : memref<!tpu.dma_semaphore, #tpu.memory_space<semaphore_mem>>) src(%dma_wait3A_183 : memref<1024xi32, #tpu.memory_space<hbm>>) dst(%arg6 : memref<1024xi32, #tpu.memory_space<vmem>>)
      tpu.yield
    }) : () -> ()
    %dma_start3A = arith.constant 0 : i32
    %dma_start3A_33 = arith.constant 0 : i32
    %dma_start3A_34 = arith.constant 0 : i32
    %dma_start3A_35 = arith.constant 0 : i32
    %dma_start3A_36 = tpu.memref_slice %arg7[%dma_start3A, %dma_start3A_34, %dma_start3A_35] : memref<3x128x256xf32, #tpu.memory_space<vmem>> -> memref<1x128x256xf32, #tpu.memory_space<vmem>>
    %dma_start3A_37 = tpu.memref_squeeze %dma_start3A_36 : memref<1x128x256xf32, #tpu.memory_space<vmem>> -> memref<128x256xf32, #tpu.memory_space<vmem>>
    %dma_start3A_38 = arith.constant 0 : i32
    %dma_start3A_39 = tpu.memref_slice %arg6[%dma_start3A_38] : memref<1024xi32, #tpu.memory_space<vmem>> -> memref<128xi32, #tpu.memory_space<vmem>>
    %dma_start3A_40 = arith.constant 0 : i32
    %dma_start3A_41 = arith.constant 0 : i32
    %dma_start3A_42 = tpu.memref_slice %arg2[%dma_start3A_40, %dma_start3A_41] : memref<32768x256xf32, #tpu.memory_space<hbm>> -> memref<32768x256xf32, #tpu.memory_space<hbm>>
    %dma_start3A_43 = tpu.memref_slice %arg8[%dma_start3A_33] : memref<3x!tpu.dma_semaphore, #tpu.memory_space<semaphore_mem>> -> memref<1x!tpu.dma_semaphore, #tpu.memory_space<semaphore_mem>>
    %dma_start3A_44 = tpu.memref_squeeze %dma_start3A_43 : memref<1x!tpu.dma_semaphore, #tpu.memory_space<semaphore_mem>> -> memref<!tpu.dma_semaphore, #tpu.memory_space<semaphore_mem>>
    tpu.enqueue_indirect_dma source(%dma_start3A_42 : memref<32768x256xf32, #tpu.memory_space<hbm>>) target(%dma_start3A_37 : memref<128x256xf32, #tpu.memory_space<vmem>>) offsets(%dma_start3A_39 : memref<128xi32, #tpu.memory_space<vmem>>) semaphore(%dma_start3A_44 : memref<!tpu.dma_semaphore, #tpu.memory_space<semaphore_mem>>)
    %dma_start3A_45 = arith.constant 1 : i32
    %dma_start3A_46 = arith.constant 1 : i32
    %dma_start3A_47 = arith.constant 0 : i32
    %dma_start3A_48 = arith.constant 0 : i32
    %dma_start3A_49 = tpu.memref_slice %arg7[%dma_start3A_45, %dma_start3A_47, %dma_start3A_48] : memref<3x128x256xf32, #tpu.memory_space<vmem>> -> memref<1x128x256xf32, #tpu.memory_space<vmem>>
    %dma_start3A_50 = tpu.memref_squeeze %dma_start3A_49 : memref<1x128x256xf32, #tpu.memory_space<vmem>> -> memref<128x256xf32, #tpu.memory_space<vmem>>
    %dma_start3A_51 = arith.constant 128 : i32
    %dma_start3A_52 = tpu.memref_slice %arg6[%dma_start3A_51] : memref<1024xi32, #tpu.memory_space<vmem>> -> memref<128xi32, #tpu.memory_space<vmem>>
    %dma_start3A_53 = arith.constant 0 : i32
    %dma_start3A_54 = arith.constant 0 : i32
    %dma_start3A_55 = tpu.memref_slice %arg2[%dma_start3A_53, %dma_start3A_54] : memref<32768x256xf32, #tpu.memory_space<hbm>> -> memref<32768x256xf32, #tpu.memory_space<hbm>>
    %dma_start3A_56 = tpu.memref_slice %arg8[%dma_start3A_46] : memref<3x!tpu.dma_semaphore, #tpu.memory_space<semaphore_mem>> -> memref<1x!tpu.dma_semaphore, #tpu.memory_space<semaphore_mem>>
    %dma_start3A_57 = tpu.memref_squeeze %dma_start3A_56 : memref<1x!tpu.dma_semaphore, #tpu.memory_space<semaphore_mem>> -> memref<!tpu.dma_semaphore, #tpu.memory_space<semaphore_mem>>
    tpu.enqueue_indirect_dma source(%dma_start3A_55 : memref<32768x256xf32, #tpu.memory_space<hbm>>) target(%dma_start3A_50 : memref<128x256xf32, #tpu.memory_space<vmem>>) offsets(%dma_start3A_52 : memref<128xi32, #tpu.memory_space<vmem>>) semaphore(%dma_start3A_57 : memref<!tpu.dma_semaphore, #tpu.memory_space<semaphore_mem>>)
    %scan3A = arith.constant 0 : i32
    %scan3A_58 = arith.constant 0 : i32
    %scan3A_59 = arith.constant 8 : i32
    %scan3A_60 = arith.addi %scan3A_58, %scan3A_59 : i32
    %scan3A_61 = arith.constant 1 : i32
    scf.for %scan3A_176 = %scan3A_58 to %scan3A_60 step %scan3A_61  : i32 {
      %jit3A_177 = arith.constant 3 : i32
      %eq3A_178 = arith.constant 0 : i32
      %eq3A_179 = arith.cmpi eq, %jit3A_177, %eq3A_178 : i32
      %jit3A_180 = arith.constant 1 : i32
      %select_n3A_181 = arith.select %eq3A_179, %jit3A_180, %jit3A_177 : i32
      %rem3A_182 = arith.remsi %scan3A_176, %select_n3A_181 : i32
      %ne3A_183 = arith.constant 0 : i32
      %ne3A_184 = arith.cmpi ne, %rem3A_182, %ne3A_183 : i32
      %lt3A_185 = arith.constant 0 : i32
      %lt3A_186 = arith.cmpi slt, %rem3A_182, %lt3A_185 : i32
      %lt3A_187 = arith.constant 0 : i32
      %lt3A_188 = arith.cmpi slt, %select_n3A_181, %lt3A_187 : i32
      %ne3A_189 = arith.xori %lt3A_186, %lt3A_188 : i1
      %and3A_190 = arith.andi %ne3A_189, %ne3A_184 : i1
      %add3A_191 = arith.addi %rem3A_182, %select_n3A_181 : i32
      %select_n3A_192 = arith.select %and3A_190, %add3A_191, %rem3A_182 : i32
      %add3A_193 = arith.constant 2 : i32
      %add3A_194 = arith.addi %scan3A_176, %add3A_193 : i32
      %lt3A_195 = arith.constant 8 : i32
      %lt3A_196 = arith.cmpi slt, %add3A_194, %lt3A_195 : i32
      %convert_element_type3A = arith.extui %lt3A_196 : i1 to i32
      %cond3A = arith.constant 0 : i32
      %cond3A_197 = arith.cmpi ne, %convert_element_type3A, %cond3A : i32
      scf.if %cond3A_197 {
        %add3A_249 = arith.constant 2 : i32
        %add3A_250 = arith.addi %scan3A_176, %add3A_249 : i32
        %jit3A_251 = arith.constant 3 : i32
        %eq3A_252 = arith.constant 0 : i32
        %eq3A_253 = arith.cmpi eq, %jit3A_251, %eq3A_252 : i32
        %jit3A_254 = arith.constant 1 : i32
        %select_n3A_255 = arith.select %eq3A_253, %jit3A_254, %jit3A_251 : i32
        %rem3A_256 = arith.remsi %add3A_250, %select_n3A_255 : i32
        %ne3A_257 = arith.constant 0 : i32
        %ne3A_258 = arith.cmpi ne, %rem3A_256, %ne3A_257 : i32
        %lt3A_259 = arith.constant 0 : i32
        %lt3A_260 = arith.cmpi slt, %rem3A_256, %lt3A_259 : i32
        %lt3A_261 = arith.constant 0 : i32
        %lt3A_262 = arith.cmpi slt, %select_n3A_255, %lt3A_261 : i32
        %ne3A_263 = arith.xori %lt3A_260, %lt3A_262 : i1
        %and3A_264 = arith.andi %ne3A_263, %ne3A_258 : i1
        %add3A_265 = arith.addi %rem3A_256, %select_n3A_255 : i32
        %select_n3A_266 = arith.select %and3A_264, %add3A_265, %rem3A_256 : i32
        %add3A_267 = arith.constant 2 : i32
        %add3A_268 = arith.addi %scan3A_176, %add3A_267 : i32
        %ge3A = arith.constant 3 : i32
        %ge3A_269 = arith.cmpi sge, %add3A_268, %ge3A : i32
        %convert_element_type3A_270 = arith.extui %ge3A_269 : i1 to i32
        %cond3A_271 = arith.constant 0 : i32
        %cond3A_272 = arith.cmpi ne, %convert_element_type3A_270, %cond3A_271 : i32
        scf.if %cond3A_272 {
          %add3A_287 = arith.constant 2 : i32
          %add3A_288 = arith.addi %scan3A_176, %add3A_287 : i32
          %sub3A_289 = arith.constant 3 : i32
          %sub3A_290 = arith.subi %add3A_288, %sub3A_289 : i32
          %mul3A_291 = arith.constant 128 : i32
          %mul3A_292 = arith.muli %sub3A_290, %mul3A_291 : i32
          %add3A_293 = arith.addi %mul3A_32, %mul3A_292 : i32
          %dma_wait3A_294 = arith.constant 0 : i32
          %dma_wait3A_295 = arith.constant 0 : i32
          %dma_wait3A_296 = tpu.memref_slice %arg7[%select_n3A_266, %dma_wait3A_294, %dma_wait3A_295] : memref<3x128x256xf32, #tpu.memory_space<vmem>> -> memref<1x128x128xf32, #tpu.memory_space<vmem>>
          %dma_wait3A_297 = tpu.memref_squeeze %dma_wait3A_296 : memref<1x128x128xf32, #tpu.memory_space<vmem>> -> memref<128x128xf32, #tpu.memory_space<vmem>>
          %dma_wait3A_298 = arith.constant 0 : i32
          %dma_wait3A_299 = tpu.memref_slice %arg4[%select_n3A, %add3A_293, %dma_wait3A_298] : memref<4x8192x128xf32, #tpu.memory_space<hbm>> -> memref<1x128x128xf32, #tpu.memory_space<hbm>>
          %dma_wait3A_300 = tpu.memref_squeeze %dma_wait3A_299 : memref<1x128x128xf32, #tpu.memory_space<hbm>> -> memref<128x128xf32, #tpu.memory_space<hbm>>
          %dma_wait3A_301 = tpu.memref_slice %arg9[%select_n3A_266] : memref<3x!tpu.dma_semaphore, #tpu.memory_space<semaphore_mem>> -> memref<1x!tpu.dma_semaphore, #tpu.memory_space<semaphore_mem>>
          %dma_wait3A_302 = tpu.memref_squeeze %dma_wait3A_301 : memref<1x!tpu.dma_semaphore, #tpu.memory_space<semaphore_mem>> -> memref<!tpu.dma_semaphore, #tpu.memory_space<semaphore_mem>>
          %dma_wait3A_303 = arith.constant 0 : i32
          %dma_wait3A_304 = tpu.memref_slice %arg4[%select_n3A, %add3A_293, %dma_wait3A_303] : memref<4x8192x128xf32, #tpu.memory_space<hbm>> -> memref<1x128x128xf32, #tpu.memory_space<hbm>>
          %dma_wait3A_305 = tpu.memref_squeeze %dma_wait3A_304 : memref<1x128x128xf32, #tpu.memory_space<hbm>> -> memref<128x128xf32, #tpu.memory_space<hbm>>
          %dma_wait3A_306 = arith.constant 0 : i32
          %dma_wait3A_307 = arith.constant 0 : i32
          %dma_wait3A_308 = tpu.memref_slice %arg7[%select_n3A_266, %dma_wait3A_306, %dma_wait3A_307] : memref<3x128x256xf32, #tpu.memory_space<vmem>> -> memref<1x128x128xf32, #tpu.memory_space<vmem>>
          %dma_wait3A_309 = tpu.memref_squeeze %dma_wait3A_308 : memref<1x128x128xf32, #tpu.memory_space<vmem>> -> memref<128x128xf32, #tpu.memory_space<vmem>>
          tpu.wait_dma2 semaphore(%dma_wait3A_302 : memref<!tpu.dma_semaphore, #tpu.memory_space<semaphore_mem>>) src(%dma_wait3A_309 : memref<128x128xf32, #tpu.memory_space<vmem>>) dst(%dma_wait3A_305 : memref<128x128xf32, #tpu.memory_space<hbm>>)
          %dma_wait3A_310 = arith.constant 0 : i32
          %dma_wait3A_311 = arith.constant 128 : i32
          %dma_wait3A_312 = tpu.memref_slice %arg7[%select_n3A_266, %dma_wait3A_310, %dma_wait3A_311] : memref<3x128x256xf32, #tpu.memory_space<vmem>> -> memref<1x128x128xf32, #tpu.memory_space<vmem>>
          %dma_wait3A_313 = tpu.memref_squeeze %dma_wait3A_312 : memref<1x128x128xf32, #tpu.memory_space<vmem>> -> memref<128x128xf32, #tpu.memory_space<vmem>>
          %dma_wait3A_314 = arith.constant 0 : i32
          %dma_wait3A_315 = tpu.memref_slice %arg5[%select_n3A, %add3A_293, %dma_wait3A_314] : memref<4x8192x128xf32, #tpu.memory_space<hbm>> -> memref<1x128x128xf32, #tpu.memory_space<hbm>>
          %dma_wait3A_316 = tpu.memref_squeeze %dma_wait3A_315 : memref<1x128x128xf32, #tpu.memory_space<hbm>> -> memref<128x128xf32, #tpu.memory_space<hbm>>
          %dma_wait3A_317 = tpu.memref_slice %arg9[%select_n3A_266] : memref<3x!tpu.dma_semaphore, #tpu.memory_space<semaphore_mem>> -> memref<1x!tpu.dma_semaphore, #tpu.memory_space<semaphore_mem>>
          %dma_wait3A_318 = tpu.memref_squeeze %dma_wait3A_317 : memref<1x!tpu.dma_semaphore, #tpu.memory_space<semaphore_mem>> -> memref<!tpu.dma_semaphore, #tpu.memory_space<semaphore_mem>>
          %dma_wait3A_319 = arith.constant 0 : i32
          %dma_wait3A_320 = tpu.memref_slice %arg5[%select_n3A, %add3A_293, %dma_wait3A_319] : memref<4x8192x128xf32, #tpu.memory_space<hbm>> -> memref<1x128x128xf32, #tpu.memory_space<hbm>>
          %dma_wait3A_321 = tpu.memref_squeeze %dma_wait3A_320 : memref<1x128x128xf32, #tpu.memory_space<hbm>> -> memref<128x128xf32, #tpu.memory_space<hbm>>
          %dma_wait3A_322 = arith.constant 0 : i32
          %dma_wait3A_323 = arith.constant 128 : i32
          %dma_wait3A_324 = tpu.memref_slice %arg7[%select_n3A_266, %dma_wait3A_322, %dma_wait3A_323] : memref<3x128x256xf32, #tpu.memory_space<vmem>> -> memref<1x128x128xf32, #tpu.memory_space<vmem>>
          %dma_wait3A_325 = tpu.memref_squeeze %dma_wait3A_324 : memref<1x128x128xf32, #tpu.memory_space<vmem>> -> memref<128x128xf32, #tpu.memory_space<vmem>>
          tpu.wait_dma2 semaphore(%dma_wait3A_318 : memref<!tpu.dma_semaphore, #tpu.memory_space<semaphore_mem>>) src(%dma_wait3A_325 : memref<128x128xf32, #tpu.memory_space<vmem>>) dst(%dma_wait3A_321 : memref<128x128xf32, #tpu.memory_space<hbm>>)
        } else {
        }
        %add3A_273 = arith.constant 2 : i32
        %add3A_274 = arith.addi %scan3A_176, %add3A_273 : i32
        %mul3A_275 = arith.constant 128 : i32
        %mul3A_276 = arith.muli %add3A_274, %mul3A_275 : i32
        %dma_start3A_277 = arith.constant 0 : i32
        %dma_start3A_278 = arith.constant 0 : i32
        %dma_start3A_279 = tpu.memref_slice %arg7[%select_n3A_266, %dma_start3A_277, %dma_start3A_278] : memref<3x128x256xf32, #tpu.memory_space<vmem>> -> memref<1x128x256xf32, #tpu.memory_space<vmem>>
        %dma_start3A_280 = tpu.memref_squeeze %dma_start3A_279 : memref<1x128x256xf32, #tpu.memory_space<vmem>> -> memref<128x256xf32, #tpu.memory_space<vmem>>
        %dma_start3A_281 = tpu.memref_slice %arg6[%mul3A_276] : memref<1024xi32, #tpu.memory_space<vmem>> -> memref<128xi32, #tpu.memory_space<vmem>>
        %dma_start3A_282 = arith.constant 0 : i32
        %dma_start3A_283 = arith.constant 0 : i32
        %dma_start3A_284 = tpu.memref_slice %arg2[%dma_start3A_282, %dma_start3A_283] : memref<32768x256xf32, #tpu.memory_space<hbm>> -> memref<32768x256xf32, #tpu.memory_space<hbm>>
        %dma_start3A_285 = tpu.memref_slice %arg8[%select_n3A_266] : memref<3x!tpu.dma_semaphore, #tpu.memory_space<semaphore_mem>> -> memref<1x!tpu.dma_semaphore, #tpu.memory_space<semaphore_mem>>
        %dma_start3A_286 = tpu.memref_squeeze %dma_start3A_285 : memref<1x!tpu.dma_semaphore, #tpu.memory_space<semaphore_mem>> -> memref<!tpu.dma_semaphore, #tpu.memory_space<semaphore_mem>>
        tpu.enqueue_indirect_dma source(%dma_start3A_284 : memref<32768x256xf32, #tpu.memory_space<hbm>>) target(%dma_start3A_280 : memref<128x256xf32, #tpu.memory_space<vmem>>) offsets(%dma_start3A_281 : memref<128xi32, #tpu.memory_space<vmem>>) semaphore(%dma_start3A_286 : memref<!tpu.dma_semaphore, #tpu.memory_space<semaphore_mem>>)
      } else {
      }
      %dma_wait3A_198 = arith.constant 0 : i32
      %dma_wait3A_199 = arith.constant 0 : i32
      %dma_wait3A_200 = tpu.memref_slice %arg7[%select_n3A_192, %dma_wait3A_198, %dma_wait3A_199] : memref<3x128x256xf32, #tpu.memory_space<vmem>> -> memref<1x128x256xf32, #tpu.memory_space<vmem>>
      %dma_wait3A_201 = tpu.memref_squeeze %dma_wait3A_200 : memref<1x128x256xf32, #tpu.memory_space<vmem>> -> memref<128x256xf32, #tpu.memory_space<vmem>>
      %dma_wait3A_202 = arith.constant 0 : i32
      %dma_wait3A_203 = arith.constant 0 : i32
      %dma_wait3A_204 = tpu.memref_slice %arg2[%dma_wait3A_202, %dma_wait3A_203] : memref<32768x256xf32, #tpu.memory_space<hbm>> -> memref<128x256xf32, #tpu.memory_space<hbm>>
      %dma_wait3A_205 = tpu.memref_slice %arg8[%select_n3A_192] : memref<3x!tpu.dma_semaphore, #tpu.memory_space<semaphore_mem>> -> memref<1x!tpu.dma_semaphore, #tpu.memory_space<semaphore_mem>>
      %dma_wait3A_206 = tpu.memref_squeeze %dma_wait3A_205 : memref<1x!tpu.dma_semaphore, #tpu.memory_space<semaphore_mem>> -> memref<!tpu.dma_semaphore, #tpu.memory_space<semaphore_mem>>
      %dma_wait3A_207 = arith.constant 0 : i32
      %dma_wait3A_208 = arith.constant 0 : i32
      %dma_wait3A_209 = tpu.memref_slice %arg7[%select_n3A_192, %dma_wait3A_207, %dma_wait3A_208] : memref<3x128x256xf32, #tpu.memory_space<vmem>> -> memref<1x128x256xf32, #tpu.memory_space<vmem>>
      %dma_wait3A_210 = tpu.memref_squeeze %dma_wait3A_209 : memref<1x128x256xf32, #tpu.memory_space<vmem>> -> memref<128x256xf32, #tpu.memory_space<vmem>>
      %dma_wait3A_211 = arith.constant 0 : i32
      %dma_wait3A_212 = arith.constant 0 : i32
      %dma_wait3A_213 = tpu.memref_slice %arg2[%dma_wait3A_211, %dma_wait3A_212] : memref<32768x256xf32, #tpu.memory_space<hbm>> -> memref<128x256xf32, #tpu.memory_space<hbm>>
      tpu.wait_dma2 semaphore(%dma_wait3A_206 : memref<!tpu.dma_semaphore, #tpu.memory_space<semaphore_mem>>) src(%dma_wait3A_213 : memref<128x256xf32, #tpu.memory_space<hbm>>) dst(%dma_wait3A_210 : memref<128x256xf32, #tpu.memory_space<vmem>>)
      %mul3A_214 = arith.constant 128 : i32
      %mul3A_215 = arith.muli %scan3A_176, %mul3A_214 : i32
      %add3A_216 = arith.addi %mul3A_32, %mul3A_215 : i32
      %dma_start3A_217 = arith.constant 0 : i32
      %dma_start3A_218 = arith.constant 0 : i32
      %dma_start3A_219 = tpu.memref_slice %arg7[%select_n3A_192, %dma_start3A_217, %dma_start3A_218] : memref<3x128x256xf32, #tpu.memory_space<vmem>> -> memref<1x128x128xf32, #tpu.memory_space<vmem>>
      %dma_start3A_220 = tpu.memref_squeeze %dma_start3A_219 : memref<1x128x128xf32, #tpu.memory_space<vmem>> -> memref<128x128xf32, #tpu.memory_space<vmem>>
      %dma_start3A_221 = arith.constant 0 : i32
      %dma_start3A_222 = tpu.memref_slice %arg4[%select_n3A, %add3A_216, %dma_start3A_221] : memref<4x8192x128xf32, #tpu.memory_space<hbm>> -> memref<1x128x128xf32, #tpu.memory_space<hbm>>
      %dma_start3A_223 = tpu.memref_squeeze %dma_start3A_222 : memref<1x128x128xf32, #tpu.memory_space<hbm>> -> memref<128x128xf32, #tpu.memory_space<hbm>>
      %dma_start3A_224 = tpu.memref_slice %arg9[%select_n3A_192] : memref<3x!tpu.dma_semaphore, #tpu.memory_space<semaphore_mem>> -> memref<1x!tpu.dma_semaphore, #tpu.memory_space<semaphore_mem>>
      %dma_start3A_225 = tpu.memref_squeeze %dma_start3A_224 : memref<1x!tpu.dma_semaphore, #tpu.memory_space<semaphore_mem>> -> memref<!tpu.dma_semaphore, #tpu.memory_space<semaphore_mem>>
      %dma_start3A_226 = arith.constant 0 : i32
      %dma_start3A_227 = tpu.memref_slice %arg4[%select_n3A, %add3A_216, %dma_start3A_226] : memref<4x8192x128xf32, #tpu.memory_space<hbm>> -> memref<1x128x128xf32, #tpu.memory_space<hbm>>
      %dma_start3A_228 = tpu.memref_squeeze %dma_start3A_227 : memref<1x128x128xf32, #tpu.memory_space<hbm>> -> memref<128x128xf32, #tpu.memory_space<hbm>>
      %dma_start3A_229 = arith.constant 0 : i32
      %dma_start3A_230 = arith.constant 0 : i32
      %dma_start3A_231 = tpu.memref_slice %arg7[%select_n3A_192, %dma_start3A_229, %dma_start3A_230] : memref<3x128x256xf32, #tpu.memory_space<vmem>> -> memref<1x128x128xf32, #tpu.memory_space<vmem>>
      %dma_start3A_232 = tpu.memref_squeeze %dma_start3A_231 : memref<1x128x128xf32, #tpu.memory_space<vmem>> -> memref<128x128xf32, #tpu.memory_space<vmem>>
      tpu.enqueue_dma source(%dma_start3A_232 : memref<128x128xf32, #tpu.memory_space<vmem>>) target(%dma_start3A_228 : memref<128x128xf32, #tpu.memory_space<hbm>>) target_semaphore(%dma_start3A_225 : memref<!tpu.dma_semaphore, #tpu.memory_space<semaphore_mem>>)
      %dma_start3A_233 = arith.constant 0 : i32
      %dma_start3A_234 = arith.constant 128 : i32
      %dma_start3A_235 = tpu.memref_slice %arg7[%select_n3A_192, %dma_start3A_233, %dma_start3A_234] : memref<3x128x256xf32, #tpu.memory_space<vmem>> -> memref<1x128x128xf32, #tpu.memory_space<vmem>>
      %dma_start3A_236 = tpu.memref_squeeze %dma_start3A_235 : memref<1x128x128xf32, #tpu.memory_space<vmem>> -> memref<128x128xf32, #tpu.memory_space<vmem>>
      %dma_start3A_237 = arith.constant 0 : i32
      %dma_start3A_238 = tpu.memref_slice %arg5[%select_n3A, %add3A_216, %dma_start3A_237] : memref<4x8192x128xf32, #tpu.memory_space<hbm>> -> memref<1x128x128xf32, #tpu.memory_space<hbm>>
      %dma_start3A_239 = tpu.memref_squeeze %dma_start3A_238 : memref<1x128x128xf32, #tpu.memory_space<hbm>> -> memref<128x128xf32, #tpu.memory_space<hbm>>
      %dma_start3A_240 = tpu.memref_slice %arg9[%select_n3A_192] : memref<3x!tpu.dma_semaphore, #tpu.memory_space<semaphore_mem>> -> memref<1x!tpu.dma_semaphore, #tpu.memory_space<semaphore_mem>>
      %dma_start3A_241 = tpu.memref_squeeze %dma_start3A_240 : memref<1x!tpu.dma_semaphore, #tpu.memory_space<semaphore_mem>> -> memref<!tpu.dma_semaphore, #tpu.memory_space<semaphore_mem>>
      %dma_start3A_242 = arith.constant 0 : i32
      %dma_start3A_243 = tpu.memref_slice %arg5[%select_n3A, %add3A_216, %dma_start3A_242] : memref<4x8192x128xf32, #tpu.memory_space<hbm>> -> memref<1x128x128xf32, #tpu.memory_space<hbm>>
      %dma_start3A_244 = tpu.memref_squeeze %dma_start3A_243 : memref<1x128x128xf32, #tpu.memory_space<hbm>> -> memref<128x128xf32, #tpu.memory_space<hbm>>
      %dma_start3A_245 = arith.constant 0 : i32
      %dma_start3A_246 = arith.constant 128 : i32
      %dma_start3A_247 = tpu.memref_slice %arg7[%select_n3A_192, %dma_start3A_245, %dma_start3A_246] : memref<3x128x256xf32, #tpu.memory_space<vmem>> -> memref<1x128x128xf32, #tpu.memory_space<vmem>>
      %dma_start3A_248 = tpu.memref_squeeze %dma_start3A_247 : memref<1x128x128xf32, #tpu.memory_space<vmem>> -> memref<128x128xf32, #tpu.memory_space<vmem>>
      tpu.enqueue_dma source(%dma_start3A_248 : memref<128x128xf32, #tpu.memory_space<vmem>>) target(%dma_start3A_244 : memref<128x128xf32, #tpu.memory_space<hbm>>) target_semaphore(%dma_start3A_241 : memref<!tpu.dma_semaphore, #tpu.memory_space<semaphore_mem>>)
    }
    %scan3A_62 = arith.constant 8 : i32
    %add3A_63 = arith.constant 640 : i32
    %add3A_64 = arith.addi %mul3A_32, %add3A_63 : i32
    %dma_wait3A = arith.constant 2 : i32
    %dma_wait3A_65 = arith.constant 2 : i32
    %dma_wait3A_66 = arith.constant 0 : i32
    %dma_wait3A_67 = arith.constant 0 : i32
    %dma_wait3A_68 = tpu.memref_slice %arg7[%dma_wait3A, %dma_wait3A_66, %dma_wait3A_67] : memref<3x128x256xf32, #tpu.memory_space<vmem>> -> memref<1x128x128xf32, #tpu.memory_space<vmem>>
    %dma_wait3A_69 = tpu.memref_squeeze %dma_wait3A_68 : memref<1x128x128xf32, #tpu.memory_space<vmem>> -> memref<128x128xf32, #tpu.memory_space<vmem>>
    %dma_wait3A_70 = arith.constant 0 : i32
    %dma_wait3A_71 = tpu.memref_slice %arg4[%select_n3A, %add3A_64, %dma_wait3A_70] : memref<4x8192x128xf32, #tpu.memory_space<hbm>> -> memref<1x128x128xf32, #tpu.memory_space<hbm>>
    %dma_wait3A_72 = tpu.memref_squeeze %dma_wait3A_71 : memref<1x128x128xf32, #tpu.memory_space<hbm>> -> memref<128x128xf32, #tpu.memory_space<hbm>>
    %dma_wait3A_73 = tpu.memref_slice %arg9[%dma_wait3A_65] : memref<3x!tpu.dma_semaphore, #tpu.memory_space<semaphore_mem>> -> memref<1x!tpu.dma_semaphore, #tpu.memory_space<semaphore_mem>>
    %dma_wait3A_74 = tpu.memref_squeeze %dma_wait3A_73 : memref<1x!tpu.dma_semaphore, #tpu.memory_space<semaphore_mem>> -> memref<!tpu.dma_semaphore, #tpu.memory_space<semaphore_mem>>
    %dma_wait3A_75 = arith.constant 0 : i32
    %dma_wait3A_76 = tpu.memref_slice %arg4[%select_n3A, %add3A_64, %dma_wait3A_75] : memref<4x8192x128xf32, #tpu.memory_space<hbm>> -> memref<1x128x128xf32, #tpu.memory_space<hbm>>
    %dma_wait3A_77 = tpu.memref_squeeze %dma_wait3A_76 : memref<1x128x128xf32, #tpu.memory_space<hbm>> -> memref<128x128xf32, #tpu.memory_space<hbm>>
    %dma_wait3A_78 = arith.constant 0 : i32
    %dma_wait3A_79 = arith.constant 0 : i32
    %dma_wait3A_80 = tpu.memref_slice %arg7[%dma_wait3A, %dma_wait3A_78, %dma_wait3A_79] : memref<3x128x256xf32, #tpu.memory_space<vmem>> -> memref<1x128x128xf32, #tpu.memory_space<vmem>>
    %dma_wait3A_81 = tpu.memref_squeeze %dma_wait3A_80 : memref<1x128x128xf32, #tpu.memory_space<vmem>> -> memref<128x128xf32, #tpu.memory_space<vmem>>
    tpu.wait_dma2 semaphore(%dma_wait3A_74 : memref<!tpu.dma_semaphore, #tpu.memory_space<semaphore_mem>>) src(%dma_wait3A_81 : memref<128x128xf32, #tpu.memory_space<vmem>>) dst(%dma_wait3A_77 : memref<128x128xf32, #tpu.memory_space<hbm>>)
    %dma_wait3A_82 = arith.constant 2 : i32
    %dma_wait3A_83 = arith.constant 2 : i32
    %dma_wait3A_84 = arith.constant 0 : i32
    %dma_wait3A_85 = arith.constant 128 : i32
    %dma_wait3A_86 = tpu.memref_slice %arg7[%dma_wait3A_82, %dma_wait3A_84, %dma_wait3A_85] : memref<3x128x256xf32, #tpu.memory_space<vmem>> -> memref<1x128x128xf32, #tpu.memory_space<vmem>>
    %dma_wait3A_87 = tpu.memref_squeeze %dma_wait3A_86 : memref<1x128x128xf32, #tpu.memory_space<vmem>> -> memref<128x128xf32, #tpu.memory_space<vmem>>
    %dma_wait3A_88 = arith.constant 0 : i32
    %dma_wait3A_89 = tpu.memref_slice %arg5[%select_n3A, %add3A_64, %dma_wait3A_88] : memref<4x8192x128xf32, #tpu.memory_space<hbm>> -> memref<1x128x128xf32, #tpu.memory_space<hbm>>
    %dma_wait3A_90 = tpu.memref_squeeze %dma_wait3A_89 : memref<1x128x128xf32, #tpu.memory_space<hbm>> -> memref<128x128xf32, #tpu.memory_space<hbm>>
    %dma_wait3A_91 = tpu.memref_slice %arg9[%dma_wait3A_83] : memref<3x!tpu.dma_semaphore, #tpu.memory_space<semaphore_mem>> -> memref<1x!tpu.dma_semaphore, #tpu.memory_space<semaphore_mem>>
    %dma_wait3A_92 = tpu.memref_squeeze %dma_wait3A_91 : memref<1x!tpu.dma_semaphore, #tpu.memory_space<semaphore_mem>> -> memref<!tpu.dma_semaphore, #tpu.memory_space<semaphore_mem>>
    %dma_wait3A_93 = arith.constant 0 : i32
    %dma_wait3A_94 = tpu.memref_slice %arg5[%select_n3A, %add3A_64, %dma_wait3A_93] : memref<4x8192x128xf32, #tpu.memory_space<hbm>> -> memref<1x128x128xf32, #tpu.memory_space<hbm>>
    %dma_wait3A_95 = tpu.memref_squeeze %dma_wait3A_94 : memref<1x128x128xf32, #tpu.memory_space<hbm>> -> memref<128x128xf32, #tpu.memory_space<hbm>>
    %dma_wait3A_96 = arith.constant 0 : i32
    %dma_wait3A_97 = arith.constant 128 : i32
    %dma_wait3A_98 = tpu.memref_slice %arg7[%dma_wait3A_82, %dma_wait3A_96, %dma_wait3A_97] : memref<3x128x256xf32, #tpu.memory_space<vmem>> -> memref<1x128x128xf32, #tpu.memory_space<vmem>>
    %dma_wait3A_99 = tpu.memref_squeeze %dma_wait3A_98 : memref<1x128x128xf32, #tpu.memory_space<vmem>> -> memref<128x128xf32, #tpu.memory_space<vmem>>
    tpu.wait_dma2 semaphore(%dma_wait3A_92 : memref<!tpu.dma_semaphore, #tpu.memory_space<semaphore_mem>>) src(%dma_wait3A_99 : memref<128x128xf32, #tpu.memory_space<vmem>>) dst(%dma_wait3A_95 : memref<128x128xf32, #tpu.memory_space<hbm>>)
    %add3A_100 = arith.constant 768 : i32
    %add3A_101 = arith.addi %mul3A_32, %add3A_100 : i32
    %dma_wait3A_102 = arith.constant 0 : i32
    %dma_wait3A_103 = arith.constant 0 : i32
    %dma_wait3A_104 = arith.constant 0 : i32
    %dma_wait3A_105 = arith.constant 0 : i32
    %dma_wait3A_106 = tpu.memref_slice %arg7[%dma_wait3A_102, %dma_wait3A_104, %dma_wait3A_105] : memref<3x128x256xf32, #tpu.memory_space<vmem>> -> memref<1x128x128xf32, #tpu.memory_space<vmem>>
    %dma_wait3A_107 = tpu.memref_squeeze %dma_wait3A_106 : memref<1x128x128xf32, #tpu.memory_space<vmem>> -> memref<128x128xf32, #tpu.memory_space<vmem>>
    %dma_wait3A_108 = arith.constant 0 : i32
    %dma_wait3A_109 = tpu.memref_slice %arg4[%select_n3A, %add3A_101, %dma_wait3A_108] : memref<4x8192x128xf32, #tpu.memory_space<hbm>> -> memref<1x128x128xf32, #tpu.memory_space<hbm>>
    %dma_wait3A_110 = tpu.memref_squeeze %dma_wait3A_109 : memref<1x128x128xf32, #tpu.memory_space<hbm>> -> memref<128x128xf32, #tpu.memory_space<hbm>>
    %dma_wait3A_111 = tpu.memref_slice %arg9[%dma_wait3A_103] : memref<3x!tpu.dma_semaphore, #tpu.memory_space<semaphore_mem>> -> memref<1x!tpu.dma_semaphore, #tpu.memory_space<semaphore_mem>>
    %dma_wait3A_112 = tpu.memref_squeeze %dma_wait3A_111 : memref<1x!tpu.dma_semaphore, #tpu.memory_space<semaphore_mem>> -> memref<!tpu.dma_semaphore, #tpu.memory_space<semaphore_mem>>
    %dma_wait3A_113 = arith.constant 0 : i32
    %dma_wait3A_114 = tpu.memref_slice %arg4[%select_n3A, %add3A_101, %dma_wait3A_113] : memref<4x8192x128xf32, #tpu.memory_space<hbm>> -> memref<1x128x128xf32, #tpu.memory_space<hbm>>
    %dma_wait3A_115 = tpu.memref_squeeze %dma_wait3A_114 : memref<1x128x128xf32, #tpu.memory_space<hbm>> -> memref<128x128xf32, #tpu.memory_space<hbm>>
    %dma_wait3A_116 = arith.constant 0 : i32
    %dma_wait3A_117 = arith.constant 0 : i32
    %dma_wait3A_118 = tpu.memref_slice %arg7[%dma_wait3A_102, %dma_wait3A_116, %dma_wait3A_117] : memref<3x128x256xf32, #tpu.memory_space<vmem>> -> memref<1x128x128xf32, #tpu.memory_space<vmem>>
    %dma_wait3A_119 = tpu.memref_squeeze %dma_wait3A_118 : memref<1x128x128xf32, #tpu.memory_space<vmem>> -> memref<128x128xf32, #tpu.memory_space<vmem>>
    tpu.wait_dma2 semaphore(%dma_wait3A_112 : memref<!tpu.dma_semaphore, #tpu.memory_space<semaphore_mem>>) src(%dma_wait3A_119 : memref<128x128xf32, #tpu.memory_space<vmem>>) dst(%dma_wait3A_115 : memref<128x128xf32, #tpu.memory_space<hbm>>)
    %dma_wait3A_120 = arith.constant 0 : i32
    %dma_wait3A_121 = arith.constant 0 : i32
    %dma_wait3A_122 = arith.constant 0 : i32
    %dma_wait3A_123 = arith.constant 128 : i32
    %dma_wait3A_124 = tpu.memref_slice %arg7[%dma_wait3A_120, %dma_wait3A_122, %dma_wait3A_123] : memref<3x128x256xf32, #tpu.memory_space<vmem>> -> memref<1x128x128xf32, #tpu.memory_space<vmem>>
    %dma_wait3A_125 = tpu.memref_squeeze %dma_wait3A_124 : memref<1x128x128xf32, #tpu.memory_space<vmem>> -> memref<128x128xf32, #tpu.memory_space<vmem>>
    %dma_wait3A_126 = arith.constant 0 : i32
    %dma_wait3A_127 = tpu.memref_slice %arg5[%select_n3A, %add3A_101, %dma_wait3A_126] : memref<4x8192x128xf32, #tpu.memory_space<hbm>> -> memref<1x128x128xf32, #tpu.memory_space<hbm>>
    %dma_wait3A_128 = tpu.memref_squeeze %dma_wait3A_127 : memref<1x128x128xf32, #tpu.memory_space<hbm>> -> memref<128x128xf32, #tpu.memory_space<hbm>>
    %dma_wait3A_129 = tpu.memref_slice %arg9[%dma_wait3A_121] : memref<3x!tpu.dma_semaphore, #tpu.memory_space<semaphore_mem>> -> memref<1x!tpu.dma_semaphore, #tpu.memory_space<semaphore_mem>>
    %dma_wait3A_130 = tpu.memref_squeeze %dma_wait3A_129 : memref<1x!tpu.dma_semaphore, #tpu.memory_space<semaphore_mem>> -> memref<!tpu.dma_semaphore, #tpu.memory_space<semaphore_mem>>
    %dma_wait3A_131 = arith.constant 0 : i32
    %dma_wait3A_132 = tpu.memref_slice %arg5[%select_n3A, %add3A_101, %dma_wait3A_131] : memref<4x8192x128xf32, #tpu.memory_space<hbm>> -> memref<1x128x128xf32, #tpu.memory_space<hbm>>
    %dma_wait3A_133 = tpu.memref_squeeze %dma_wait3A_132 : memref<1x128x128xf32, #tpu.memory_space<hbm>> -> memref<128x128xf32, #tpu.memory_space<hbm>>
    %dma_wait3A_134 = arith.constant 0 : i32
    %dma_wait3A_135 = arith.constant 128 : i32
    %dma_wait3A_136 = tpu.memref_slice %arg7[%dma_wait3A_120, %dma_wait3A_134, %dma_wait3A_135] : memref<3x128x256xf32, #tpu.memory_space<vmem>> -> memref<1x128x128xf32, #tpu.memory_space<vmem>>
    %dma_wait3A_137 = tpu.memref_squeeze %dma_wait3A_136 : memref<1x128x128xf32, #tpu.memory_space<vmem>> -> memref<128x128xf32, #tpu.memory_space<vmem>>
    tpu.wait_dma2 semaphore(%dma_wait3A_130 : memref<!tpu.dma_semaphore, #tpu.memory_space<semaphore_mem>>) src(%dma_wait3A_137 : memref<128x128xf32, #tpu.memory_space<vmem>>) dst(%dma_wait3A_133 : memref<128x128xf32, #tpu.memory_space<hbm>>)
    %add3A_138 = arith.constant 896 : i32
    %add3A_139 = arith.addi %mul3A_32, %add3A_138 : i32
    %dma_wait3A_140 = arith.constant 1 : i32
    %dma_wait3A_141 = arith.constant 1 : i32
    %dma_wait3A_142 = arith.constant 0 : i32
    %dma_wait3A_143 = arith.constant 0 : i32
    %dma_wait3A_144 = tpu.memref_slice %arg7[%dma_wait3A_140, %dma_wait3A_142, %dma_wait3A_143] : memref<3x128x256xf32, #tpu.memory_space<vmem>> -> memref<1x128x128xf32, #tpu.memory_space<vmem>>
    %dma_wait3A_145 = tpu.memref_squeeze %dma_wait3A_144 : memref<1x128x128xf32, #tpu.memory_space<vmem>> -> memref<128x128xf32, #tpu.memory_space<vmem>>
    %dma_wait3A_146 = arith.constant 0 : i32
    %dma_wait3A_147 = tpu.memref_slice %arg4[%select_n3A, %add3A_139, %dma_wait3A_146] : memref<4x8192x128xf32, #tpu.memory_space<hbm>> -> memref<1x128x128xf32, #tpu.memory_space<hbm>>
    %dma_wait3A_148 = tpu.memref_squeeze %dma_wait3A_147 : memref<1x128x128xf32, #tpu.memory_space<hbm>> -> memref<128x128xf32, #tpu.memory_space<hbm>>
    %dma_wait3A_149 = tpu.memref_slice %arg9[%dma_wait3A_141] : memref<3x!tpu.dma_semaphore, #tpu.memory_space<semaphore_mem>> -> memref<1x!tpu.dma_semaphore, #tpu.memory_space<semaphore_mem>>
    %dma_wait3A_150 = tpu.memref_squeeze %dma_wait3A_149 : memref<1x!tpu.dma_semaphore, #tpu.memory_space<semaphore_mem>> -> memref<!tpu.dma_semaphore, #tpu.memory_space<semaphore_mem>>
    %dma_wait3A_151 = arith.constant 0 : i32
    %dma_wait3A_152 = tpu.memref_slice %arg4[%select_n3A, %add3A_139, %dma_wait3A_151] : memref<4x8192x128xf32, #tpu.memory_space<hbm>> -> memref<1x128x128xf32, #tpu.memory_space<hbm>>
    %dma_wait3A_153 = tpu.memref_squeeze %dma_wait3A_152 : memref<1x128x128xf32, #tpu.memory_space<hbm>> -> memref<128x128xf32, #tpu.memory_space<hbm>>
    %dma_wait3A_154 = arith.constant 0 : i32
    %dma_wait3A_155 = arith.constant 0 : i32
    %dma_wait3A_156 = tpu.memref_slice %arg7[%dma_wait3A_140, %dma_wait3A_154, %dma_wait3A_155] : memref<3x128x256xf32, #tpu.memory_space<vmem>> -> memref<1x128x128xf32, #tpu.memory_space<vmem>>
    %dma_wait3A_157 = tpu.memref_squeeze %dma_wait3A_156 : memref<1x128x128xf32, #tpu.memory_space<vmem>> -> memref<128x128xf32, #tpu.memory_space<vmem>>
    tpu.wait_dma2 semaphore(%dma_wait3A_150 : memref<!tpu.dma_semaphore, #tpu.memory_space<semaphore_mem>>) src(%dma_wait3A_157 : memref<128x128xf32, #tpu.memory_space<vmem>>) dst(%dma_wait3A_153 : memref<128x128xf32, #tpu.memory_space<hbm>>)
    %dma_wait3A_158 = arith.constant 1 : i32
    %dma_wait3A_159 = arith.constant 1 : i32
    %dma_wait3A_160 = arith.constant 0 : i32
    %dma_wait3A_161 = arith.constant 128 : i32
    %dma_wait3A_162 = tpu.memref_slice %arg7[%dma_wait3A_158, %dma_wait3A_160, %dma_wait3A_161] : memref<3x128x256xf32, #tpu.memory_space<vmem>> -> memref<1x128x128xf32, #tpu.memory_space<vmem>>
    %dma_wait3A_163 = tpu.memref_squeeze %dma_wait3A_162 : memref<1x128x128xf32, #tpu.memory_space<vmem>> -> memref<128x128xf32, #tpu.memory_space<vmem>>
    %dma_wait3A_164 = arith.constant 0 : i32
    %dma_wait3A_165 = tpu.memref_slice %arg5[%select_n3A, %add3A_139, %dma_wait3A_164] : memref<4x8192x128xf32, #tpu.memory_space<hbm>> -> memref<1x128x128xf32, #tpu.memory_space<hbm>>
    %dma_wait3A_166 = tpu.memref_squeeze %dma_wait3A_165 : memref<1x128x128xf32, #tpu.memory_space<hbm>> -> memref<128x128xf32, #tpu.memory_space<hbm>>
    %dma_wait3A_167 = tpu.memref_slice %arg9[%dma_wait3A_159] : memref<3x!tpu.dma_semaphore, #tpu.memory_space<semaphore_mem>> -> memref<1x!tpu.dma_semaphore, #tpu.memory_space<semaphore_mem>>
    %dma_wait3A_168 = tpu.memref_squeeze %dma_wait3A_167 : memref<1x!tpu.dma_semaphore, #tpu.memory_space<semaphore_mem>> -> memref<!tpu.dma_semaphore, #tpu.memory_space<semaphore_mem>>
    %dma_wait3A_169 = arith.constant 0 : i32
    %dma_wait3A_170 = tpu.memref_slice %arg5[%select_n3A, %add3A_139, %dma_wait3A_169] : memref<4x8192x128xf32, #tpu.memory_space<hbm>> -> memref<1x128x128xf32, #tpu.memory_space<hbm>>
    %dma_wait3A_171 = tpu.memref_squeeze %dma_wait3A_170 : memref<1x128x128xf32, #tpu.memory_space<hbm>> -> memref<128x128xf32, #tpu.memory_space<hbm>>
    %dma_wait3A_172 = arith.constant 0 : i32
    %dma_wait3A_173 = arith.constant 128 : i32
    %dma_wait3A_174 = tpu.memref_slice %arg7[%dma_wait3A_158, %dma_wait3A_172, %dma_wait3A_173] : memref<3x128x256xf32, #tpu.memory_space<vmem>> -> memref<1x128x128xf32, #tpu.memory_space<vmem>>
    %dma_wait3A_175 = tpu.memref_squeeze %dma_wait3A_174 : memref<1x128x128xf32, #tpu.memory_space<vmem>> -> memref<128x128xf32, #tpu.memory_space<vmem>>
    tpu.wait_dma2 semaphore(%dma_wait3A_168 : memref<!tpu.dma_semaphore, #tpu.memory_space<semaphore_mem>>) src(%dma_wait3A_175 : memref<128x128xf32, #tpu.memory_space<vmem>>) dst(%dma_wait3A_171 : memref<128x128xf32, #tpu.memory_space<hbm>>)
    return
  }
}

</mosaic_0001>

<sc_bundles>
// kernel: _rotary_gather.3.cloned.1.call-start
scs
__scs_entry_jumppad:
0x0: {  	(pc) =	sbr.rel $0x88, $3  }
0x1: {  	(tag) =	ssettag $0x0;
	lr =	simm.s32 $0x1  }
0x2: {  	[smem:$0x3F9F] =	sst lr;
	_ =	strace $0xD0000000  }
0x3: {  	_ = 	snop  }
0x4: {  	_ = 	snop  }
0x5: {  	_ = 	snop  }
0x6: {  	_ = 	snop  }
0x7: {  	_ = 	snop  }
__scs_overlays_trampoline_lowered:
0x8: {  	[smem:$0x3FAE] =	sst s0  }
0x9: {  	[smem:$0x3FAF] =	sst s1  }
0xa: {  	[smem:$0x3FB0] =	sst s2  }
0xb: {  	[smem:$0x3FB1] =	sst s3  }
0xc: {  	[smem:$0x3FB2] =	sst s4  }
0xd: {  	[smem:$0x3FB3] =	sst s5  }
0xe: {  	[smem:$0x3FB4] =	sst s6  }
0xf: {  	[smem:$0x3FB5] =	sst s7  }
0x10: {  	[smem:$0x3FB6] =	sst s8  }
0x11: {  	[smem:$0x3FB7] =	sst s9;
	s0 =	simm.s32 @!p0 $0x0  }
0x12: {  	s1 =	sld [smem:$0x3F9D];
	s0 =	simm.s32 @p0 $0x1  }
0x13: {  	[smem:$0x3FB8] =	sst s0;
	s0 =	simm.s32 @!p1 $0x0  }
0x14: {  	s2 =	sld [smem:$0x3F9C];
	s0 =	simm.s32 @p1 $0x1  }
0x15: {  	[smem:$0x3FB9] =	sst s0;
	s0 =	simm.s32 @!p2 $0x0  }
0x16: {  	s3 =	sld [smem:$0x3FDB];
	s0 =	simm.s32 @p2 $0x1  }
0x17: {  	s4 =	simm.s32 $0x1BF5;
	[smem:$0x3FBB] =	sst s0  }
0x18: {  	s0 =	sld [smem:$0x3F9E];
	_ =	swait.ge [sflag:s4], $0x0  }
0x19: {  	s7 =	sld [smem:$0x3F9F]  }
0x1a: {  	s8 =	sadd.s32 $0xFFFFE003, lr  }
0x1b: {  	s9 =	sadd.s32 $0xFFFFFEF7, lr;
	s5 =	simm.s32 $0xFFFFFFFF;
	p2 =	slt.u32 s8, $0xFFFFF086  }
0x1c: {  	p1 =	slt.u32 s9, $0xF7A;
	s5 =	simm.s32 @!p2 $0x0  }
0x1d: {  	s5 =	simm.s32 @p1 $0x1;
	p0 =	seq.s32 s7, s2  }
0x1e: {  	s7 =	smul.u32 @!p0 $0xF7A, s2;
	p2 =	seq.s32 @!p0 s5, $0x0  }
0x1f: {  	s9 =	smul.u32 $0xF7A, s1;
	s8 =	simm.s32 @!p0 $0x1BF5;
	p2 =	por !p2, p0  }
0x20: {  	[sflag:s8] =	ssyncset.s32 @!p0 $0xFFFFF086;
	s6 =	sadd.s32 @!p0 s3, s7;
	s7 =	simm.s32 @!p0 $0x108  }
0x21: {  	s3 =	sadd.s32 s3, s9;
	s6 =	sadd.s32 @!p0 $0x88, s6;
	s7 =	simm.s32 @p2 $0x1082  }
0x22: {  	[simem:s7], [sflag:s8] =	dma.local @!p0 [hbm:s6], $0xF7A  }
0x23: {  	s9 =	sor.u32 $0xD0000000, s2;
	s6 =	simm.s32 $0x108;
	_ =	swait.ge @!p0 [sflag:s8], $0x0  }
0x24: {  	s3 =	sadd.s32 $0x88, s3;
	s6 =	simm.s32 @!p1 $0x1082;
	[sflag:s4] =	ssyncset.s32 $0xFFFFF086  }
0x25: {  	[simem:s6], [sflag:s4] =	dma.local [hbm:s3], $0xF7A  }
0x26: {  	[smem:$0x3F9F] =	sst s1;
	(tag) =	ssettag s2;
	_ =	strace s9  }
0x27: {  	s1 =	sld [smem:$0x3FAF]  }
0x28: {  	s2 =	sld [smem:$0x3FB0]  }
0x29: {  	s4 =	sld [smem:$0x3FB2]  }
0x2a: {  	p0 =	seq.s32 s5, $0x0;
	s5 =	sld [smem:$0x3FB3]  }
0x2b: {  	s6 =	sld [smem:$0x3FB4]  }
0x2c: {  	s7 =	sld [smem:$0x3FB5]  }
0x2d: {  	s3 =	simm.s32 $0x108;
	s8 =	sld [smem:$0x3FB6]  }
0x2e: {  	s3 =	simm.s32 @!p0 $0x1082;
	s9 =	sld [smem:$0x3FB7]  }
0x2f: {  	lr =	sadd.s32 s0, s3;
	s0 =	sld [smem:$0x3FAE]  }
0x30: {  	s3 =	sld [smem:$0x3FB1]  }
0x31: {  	[smem:$0x3FBA] =	sst s10  }
0x32: {  	s10 =	sld [smem:$0x3FB8];
	_ =	sdelay $0x3  }
0x33: {  	p0 =	seq.s32 s10, $0x1;
	s10 =	sld [smem:$0x3FBA];
	_ =	sdelay $0x3  }
0x34: {  	[smem:$0x3FBA] =	sst s10  }
0x35: {  	s10 =	sld [smem:$0x3FB9];
	_ =	sdelay $0x3  }
0x36: {  	p1 =	seq.s32 s10, $0x1;
	s10 =	sld [smem:$0x3FBA];
	_ =	sdelay $0x3  }
0x37: {  	[smem:$0x3FBA] =	sst s10  }
0x38: {  	s10 =	sld [smem:$0x3FBB]  }
0x39: {  	_ = 	snop;
	(pc) =	sbr.ind lr, $3  }
0x3a: {  	_ = 	snop  }
0x3b: {  	_ = 	snop  }
0x3c: {  	p2 =	seq.s32 s10, $0x1;
	s10 =	sld [smem:$0x3FBA]  }
0x3d: {  	_ =	shalt  }
0x3e: {  	_ =	shalt  }
0x3f: {  	_ =	shalt  }
0x40: {  	_ =	shalt  }
0x41: {  	_ =	shalt  }
0x42: {  	_ =	shalt  }
0x43: {  	_ =	shalt  }
0x44: {  	_ =	shalt  }
0x45: {  	_ =	shalt  }
0x46: {  	_ =	shalt  }
0x47: {  	_ =	shalt  }
0x48: {  	_ =	shalt  }
0x49: {  	_ =	shalt  }
0x4a: {  	_ =	shalt  }
0x4b: {  	_ =	shalt  }
0x4c: {  	_ =	shalt  }
0x4d: {  	_ =	shalt  }
0x4e: {  	_ =	shalt  }
0x4f: {  	_ =	shalt  }
0x50: {  	_ =	shalt  }
0x51: {  	_ =	shalt  }
0x52: {  	_ =	shalt  }
0x53: {  	_ =	shalt  }
0x54: {  	_ =	shalt  }
0x55: {  	_ =	shalt  }
0x56: {  	_ =	shalt  }
0x57: {  	_ =	shalt  }
0x58: {  	_ =	shalt  }
0x59: {  	_ =	shalt  }
0x5a: {  	_ =	shalt  }
0x5b: {  	_ =	shalt  }
0x5c: {  	_ =	shalt  }
0x5d: {  	_ =	shalt  }
0x5e: {  	_ =	shalt  }
0x5f: {  	_ =	shalt  }
0x60: {  	_ =	shalt  }
0x61: {  	_ =	shalt  }
0x62: {  	_ =	shalt  }
0x63: {  	_ =	shalt  }
0x64: {  	_ =	shalt  }
0x65: {  	_ =	shalt  }
0x66: {  	_ =	shalt  }
0x67: {  	_ =	shalt  }
0x68: {  	_ =	shalt  }
0x69: {  	_ =	shalt  }
0x6a: {  	_ =	shalt  }
0x6b: {  	_ =	shalt  }
0x6c: {  	_ =	shalt  }
0x6d: {  	_ =	shalt  }
0x6e: {  	_ =	shalt  }
0x6f: {  	_ =	shalt  }
0x70: {  	_ =	shalt  }
0x71: {  	_ =	shalt  }
0x72: {  	_ =	shalt  }
0x73: {  	_ =	shalt  }
0x74: {  	_ =	shalt  }
0x75: {  	_ =	shalt  }
0x76: {  	_ =	shalt  }
0x77: {  	_ =	shalt  }
0x78: {  	_ =	shalt  }
0x79: {  	_ =	shalt  }
0x7a: {  	_ =	shalt  }
0x7b: {  	_ =	shalt  }
0x7c: {  	_ =	shalt  }
0x7d: {  	_ =	shalt  }
0x7e: {  	_ =	shalt  }
0x7f: {  	_ =	shalt  }
0x80: {  	_ =	shalt  }
0x81: {  	_ =	shalt  }
0x82: {  	_ =	shalt  }
0x83: {  	_ =	shalt  }
0x84: {  	_ =	shalt  }
0x85: {  	_ =	shalt  }
0x86: {  	_ =	shalt  }
0x87: {  	_ =	shalt  }
.Lfunc_end0:
.L_simem_size_0:
called_computation_lowered:
.L_overlay_start_0:
0x88: {  	s2 =	sld [smem:$0x3FD9]  }
0x89: {  	s3 =	sld [smem:$0x3FFE];
	_ =	sdelay $0x1  }
0x8a: {  	s1 =	srdreg.scid  }
0x8b: {  	s0 =	sand.u32 $0x1, s1  }
0x8c: {  	s15 =	sshll.u32 s0, $0xA;
	s2 =	sadd.s32 s3, s2  }
0x8d: {  	s2 =	sadd.s32 s2, s15  }
0x8e: {  	[smem:$0x3FC6] =	sst s2  }
0x8f: {  	_ = 	snop  }
0x90: {  	s2 =	sld [smem:$0x3FD0];
	_ =	sdelay $0x1  }
0x91: {  	s16 =	sld [smem:$0x3FC9]  }
0x92: {  	s5 =	simm.s32 $0xA;
	s6 =	simm.s32 $0x10;
	s4 =	sld [smem:$0x3FC8]  }
0x93: {  	[smem:s6], [sflag:s5] =	dma.local [hbm:s2], $0x1  }
0x94: {  	_ =	swait.eq [sflag:s5], $0x1  }
0x95: {  	[sflag:s5] =	ssyncset.done $0x0  }
0x96: {  	s17 =	sld [smem:$0x10];
	[sflag:s5] =	ssyncadd.s32 $0xFFFFFFFF  }
0x97: {  	s18 =	sld [smem:$0x11];
	(tm) =	ssettm $0x1  }
0x98: {  	s19 =	sld [smem:$0x3FFB];
	_ =	sdelay $0x3  }
0x99: {  	_ =	strace s19  }
0x9a: {  	s6 =	sld [smem:$0x3FFC];
	_ =	sdelay $0x3  }
0x9b: {  	_ =	strace s6  }
0x9c: {  	s6 =	sld [smem:$0x3FFD];
	_ =	sdelay $0x3  }
0x9d: {  	_ =	strace s6  }
0x9e: {  	_ =	strace $0x8FFFFFFF  }
0x9f: {  	s20 =	sld [smem:$0x3FDB];
	_ =	sdelay $0x1  }
0xa0: {  	s7 =	simm.s32 $_scs_section_size  }
0xa1: {  	s8 =	simm.s32 $_size__tile_overlayer_lowered;
	s9 =	simm.s32 $_tile_overlayer_lowered  }
0xa2: {  	s23 =	simm.s32 $0x1BFF;
	s22 =	sshll.u32 s9, $0x1;
	s6 =	sadd.s32 s7, s20  }
0xa3: {  	s10 =	simm.s32 $0x0;
	s21 =	sshll.u32 s8, $0x1;
	s8 =	sadd.s32 s22, s6  }
0xa4: {  	[timem:s10], [sflag:s23] =	dma.local [hbm:s8], s21  }
0xa5: {  	_ =	swait.ge [sflag:s23], s21  }
0xa6: {  	s7 =	ssub.s32 $0x0, s21;
	[sflag:s23] =	ssyncset.done $0x0  }
0xa7: {  	[sflag:s23] =	ssyncadd.s32 s7;
	_ =	sdelay $0x1  }
0xa8: {  	s24 =	simm.s32 $0x1B8B  }
0xa9: {  	_ =	swait.ge [sflag:s24], $0x1  }
0xaa: {  	[sflag:s24] =	ssyncset.done $0x0  }
0xab: {  	s25 =	simm.s32 $0x1B8E;
	[sflag:s24] =	ssyncadd.s32 $0xFFFFFFFF  }
0xac: {  	s26 =	simm.s32 $execute0_lowered;
	[smem:$0x3FD2] =	sst s25  }
0xad: {  	s7 =	sshll.u32 s26, $0x1;
	_ =	strace $0x80000046;
	[dreg:$0x1] =	wrdreg $0xFFFFFFFF  }
0xae: {  	s28 =	simm.s32 $_size_execute0_lowered;
	s6 =	sadd.s32 s6, s7;
	[dreg:$0x0] =	wrdreg $0x0  }
0xaf: {  	s7 =	sshll.u32 s28, $0x1;
	[dreg:$0x2] =	wrdreg s6  }
0xb0: {  	[dreg:$0x3] =	wrdreg s7  }
0xb1: {  	[dreg:$0x4] =	wrdreg $0xC0  }
0xb2: {  	_ =	task [dreg:s10], $0x5FFFF  }
0xb3: {  	[dreg:$0x1] =	wrdreg $0xFFFFFFFF  }
0xb4: {  	[dreg:$0x0] =	wrdreg $0x60  }
0xb5: {  	[dreg:$0x2] =	wrdreg s16  }
0xb6: {  	[dreg:$0x3] =	wrdreg s4  }
0xb7: {  	[dreg:$0x4] =	wrdreg s17  }
0xb8: {  	[dreg:$0x5] =	wrdreg s18  }
0xb9: {  	[dreg:$0x6] =	wrdreg $0x9  }
0xba: {  	_ =	task.clear_ibuf [dreg:s10], $0x7FFFF;
	_ =	strace $0x90000046  }
0xbb: {  	s29 =	simm.s32 $0x9;
	_ =	strace $0x80000048  }
0xbc: {  	_ =	swait.ge [sflag:s29], $0x1  }
0xbd: {  	[sflag:s29] =	ssyncadd.s32 $0xFFFFFFFF  }
0xbe: {  	_ =	strace $0x90000048  }
0xbf: {  	_ =	sfence  }
0xc0: {  	s30 =	sld [smem:$0x0];
	_ =	sdelay $0x2  }
0xc1: {  	s31 =	sshll.u32 s1, $0xD;
	s1 =	sshrl.u32 s1, $0x2  }
0xc2: {  	s3 =	sand.u32 $0x4000, s31;
	s1 =	sadd.s32 s1, s30  }
0xc3: {  	s0 =	sor.u32 s3, s0;
	s1 =	sshll.u32 s1, $0x11  }
0xc4: {  	s0 =	sor.u32 s1, s0  }
0xc5: {  	s0 =	sadd.s32 $0x8F2B, s0  }
0xc6: {  	[sflag:s0] =	ssyncadd.remote.s32 $0x1  }
0xc7: {  	_ =	sfence.sel $0xFFFF  }
0xc8: {  	[dreg:$0x0] =	wrdreg $0xFFFFFFFF;
	(pc) =	sbr.abs _section_cstart, $3  }
0xc9: {  	[dreg:$0x1] =	wrdreg $0xFFFFFFFF  }
0xca: {  	_ =	task.clear_ibuf [dreg:s10], $0x2FFFF;
	_ =	strace $0x9FFFFFFF  }
0xcb: {  	(tm) =	ssettm $0x7FFFFFFF  }
tec
execute0_lowered:
.L_overlay_start_1:
0x0: {  	(tag) =	ssettag $0x1  }
0x1: {  	s1 =	rddreg [dreg:$0x0]  }
0x2: {  	s0 =	rddreg [dreg:$0x1]  }
0x3: {  	s2 =	rddreg [dreg:$0x2]  }
0x4: {  	s5 =	rddreg [dreg:$0x3];
	s3 =	simm.s32 $0x0  }
0x5: {  	s4 =	srdreg.scid;
	s11 =	stileid.u32;
	s12 =	simm.s32 $0xCC00  }
0x6: {  	s13 =	simm.s32 $0xD400;
	s14 =	simm.s32 $0xDC00;
	s15 =	simm.s32 $0xE400  }
0x7: {  	s16 =	simm.s32 $0xEC00;
	s17 =	simm.s32 $0xF400;
	s18 =	simm.s32 $0xFC00  }
0x8: {  	s19 =	simm.s32 $0x6;
	s20 =	simm.s32 $0x4;
	s21 =	simm.s32 $0x5  }
0x9: {  	s22 =	simm.s32 $0x0;
	[smem:$0x7FF] =	sst s3;
	s6 =	sand.u32 $0x1, s4  }
0xa: {  	s29 =	sshll.u32 s11, $0x1;
	s8 =	sshrl.u32 s11, $0x2;
	s31 =	sand.u32 $0x3, s11  }
0xb: {  	s11 =	simm.s32 $0xC400;
	_ =	strace $0x80000047;
	s7 =	ssub.s32 $0x2, s6  }
0xc: {  	s4 =	sand.u32 $0x6, s29;
	s10 =	sshll.u32 s8, $0x4;
	s30 =	sshll.u32 s8, $0x11  }
0xd: {  	s8 =	sshll.u32 s31, $0xF;
	s9 =	sshrl.u32 s7, $0x1;
	s4 =	sor.u32 s6, s4  }
0xe: {  	s0 =	sadd.s32 s0, s10;
	s2 =	sadd.s32 s30, s2;
	s6 =	sshll.u32 s6, $0xE  }
.Ltmp0:
0xf: {  	s10 =	simm.s32 $0x7;
	s7 =	ssub.s32 s7, s9;
	(pc) =	sbr.rel .LBB2_1-.Ltmp0, $4  }
0x10: {  	s4 =	sshll.u32 s4, $0x9;
	s2 =	sadd.s32 s8, s2;
	s9 =	simm.s32 $0xBC00  }
0x11: {  	v2 =	vlaneseq.u32;
	s4 =	sadd.s32 s4, s0;
	s0 =	sadd.s32 s30, s5;
	s5 =	smax.u32 s7, $0x1  }
0x12: {  	vm0 =	vmmov $0xffff;
	v1 =	vshrl.u32 v2, $0x3;
	s26 =	sadd.s32 s6, s2;
	s2 =	simm.s32 $0xAC00;
	s0 =	sadd.s32 s8, s0  }
0x13: {  	v0 =	vand.u32 $0x7, v2;
	v2 =	vor.u32 $0x8, v2;
	v1 =	vmul.u32 $0x8, v1;
	s8 =	simm.s32 $0xB400;
	s25 =	sadd.s32 s6, s0;
	s0 =	simm.s32 $0xA400  }
.LBB2_5:
0x14: {  	_ =	swait.ge [sflag:s19], $0x4000  }
0x15: {  	[sflag:s19] =	ssyncset.done $0x0  }
0x16: {  	[sflag:s19] =	ssyncadd.s32 $0xFFFFC000  }
0x17: {  	_ =	swait.ge [sflag:s19], $0x4000  }
0x18: {  	[sflag:s19] =	ssyncset.done $0x0  }
0x19: {  	[sflag:s19] =	ssyncadd.s32 $0xFFFFC000  }
0x1a: {  	_ =	swait.ge [sflag:s20], $0x4000  }
0x1b: {  	[sflag:s20] =	ssyncset.done $0x0  }
0x1c: {  	[sflag:s20] =	ssyncadd.s32 $0xFFFFC000  }
0x1d: {  	_ =	swait.ge [sflag:s20], $0x4000  }
0x1e: {  	[sflag:s20] =	ssyncset.done $0x0  }
0x1f: {  	s22 =	sadd.s32 $0x1, s22;
	[sflag:s20] =	ssyncadd.s32 $0xFFFFC000  }
0x20: {  	p0 =	sne.s32 s22, s5;
	_ =	swait.ge [sflag:s21], $0x4000  }
.Ltmp1:
0x21: {  	[sflag:s21] =	ssyncset.done $0x0;
	(pc) =	sbr.rel @!p0 .LBB2_6-.Ltmp1, $4  }
0x22: {  	[sflag:s21] =	ssyncadd.s32 $0xFFFFC000  }
0x23: {  	_ =	swait.ge [sflag:s21], $0x4000  }
0x24: {  	[sflag:s21] =	ssyncset.done $0x0  }
0x25: {  	[sflag:s21] =	ssyncadd.s32 $0xFFFFC000  }
.LBB2_1:
0x26: {  	s6 =	simm.s32 $0x80;
	s7 =	simm.s32 $0x200  }
0x27: {  	[tilespmem:s3], [sflag:$0x7] =	stream.strided.gather [hbm4b:s4+s6], $0x400, s7, s6, $0x38;
	[tilespmem:$0x18400] =	vst v63  }
0x28: {  	_ =	swait.ge [sflag:s10], $0x400  }
0x29: {  	[sflag:s10] =	ssyncset.done $0x0  }
0x2a: {  	[sflag:s10] =	ssyncadd.s32 $0xFFFFFC00  }
0x2b: {  	v3 =	vld [tilespmem:$0x0];
	_ =	sdelay $0x4  }
0x2c: {  	v4 =	vshll.u32 v3, $0x1  }
0x2d: {  	v3 =	vand.u32 $0x7, v3;
	v4 =	vand.u32 $0xFFFFFFF0, v4  }
0x2e: {  	v3 =	vor.u32 v3, v4  }
0x2f: {  	v4 =	vperm.xlane v3, v0;
	_ =	sdelay $0x1  }
0x30: {  	v3 =	vperm.xlane v3, v2;
	v4 =	vadd.s32 v1, v4;
	_ =	sdelay $0x1  }
0x31: {  	v3 =	vadd.s32 v1, v3;
	_ =	sdelay $0x1  }
0x32: {  	s23 =	simm.s32 $0x400  }
0x33: {  	[tilespmem:s23], [sflag:$0x1] =	stream.indirect_vreg.gather [hbm4b:s1+s3], $0x80, v4, vm0, $0xb8;
	[tilespmem:$0x18400] =	vst v63  }
0x34: {  	s24 =	simm.s32 $0xC00  }
0x35: {  	[tilespmem:s24], [sflag:$0x1] =	stream.indirect_vreg.gather [hbm4b:s1+s3], $0x80, v3, vm0, $0xb8;
	[tilespmem:$0x18400] =	vst v63  }
0x36: {  	v3 =	vld [tilespmem:$0x10];
	_ =	sdelay $0x4  }
0x37: {  	v49 =	vshll.u32 v3, $0x1  }
0x38: {  	v3 =	vand.u32 $0x7, v3;
	v4 =	vand.u32 $0xFFFFFFF0, v49  }
0x39: {  	v3 =	vor.u32 v3, v4  }
0x3a: {  	v4 =	vperm.xlane v3, v0;
	_ =	sdelay $0x1  }
0x3b: {  	v3 =	vperm.xlane v3, v2;
	v4 =	vadd.s32 v1, v4;
	_ =	sdelay $0x1  }
0x3c: {  	v3 =	vadd.s32 v1, v3;
	_ =	sdelay $0x1  }
0x3d: {  	s28 =	simm.s32 $0x1400  }
0x3e: {  	[tilespmem:s28], [sflag:$0x1] =	stream.indirect_vreg.gather [hbm4b:s1+s3], $0x80, v4, vm0, $0xb8;
	[tilespmem:$0x18400] =	vst v63  }
0x3f: {  	s29 =	simm.s32 $0x1C00  }
0x40: {  	[tilespmem:s29], [sflag:$0x1] =	stream.indirect_vreg.gather [hbm4b:s1+s3], $0x80, v3, vm0, $0xb8;
	[tilespmem:$0x18400] =	vst v63  }
0x41: {  	v3 =	vld [tilespmem:$0x20];
	_ =	sdelay $0x4  }
0x42: {  	v50 =	vshll.u32 v3, $0x1  }
0x43: {  	v3 =	vand.u32 $0x7, v3;
	v4 =	vand.u32 $0xFFFFFFF0, v50  }
0x44: {  	v3 =	vor.u32 v3, v4  }
0x45: {  	v4 =	vperm.xlane v3, v0;
	_ =	sdelay $0x1  }
0x46: {  	v3 =	vperm.xlane v3, v2;
	v4 =	vadd.s32 v1, v4;
	_ =	sdelay $0x1  }
0x47: {  	v3 =	vadd.s32 v1, v3;
	_ =	sdelay $0x1  }
0x48: {  	s30 =	simm.s32 $0x2400  }
0x49: {  	[tilespmem:s30], [sflag:$0x1] =	stream.indirect_vreg.gather [hbm4b:s1+s3], $0x80, v4, vm0, $0xb8;
	[tilespmem:$0x18400] =	vst v63  }
0x4a: {  	s31 =	simm.s32 $0x2C00  }
0x4b: {  	[tilespmem:s31], [sflag:$0x1] =	stream.indirect_vreg.gather [hbm4b:s1+s3], $0x80, v3, vm0, $0xb8;
	[tilespmem:$0x18400] =	vst v63  }
0x4c: {  	v3 =	vld [tilespmem:$0x30];
	_ =	sdelay $0x4  }
0x4d: {  	v51 =	vshll.u32 v3, $0x1  }
0x4e: {  	v3 =	vand.u32 $0x7, v3;
	v4 =	vand.u32 $0xFFFFFFF0, v51  }
0x4f: {  	v3 =	vor.u32 v3, v4  }
0x50: {  	v4 =	vperm.xlane v3, v0;
	_ =	sdelay $0x1  }
0x51: {  	v3 =	vperm.xlane v3, v2;
	v4 =	vadd.s32 v1, v4;
	_ =	sdelay $0x1  }
0x52: {  	v3 =	vadd.s32 v1, v3;
	_ =	sdelay $0x1  }
0x53: {  	s7 =	simm.s32 $0x3400  }
0x54: {  	[tilespmem:s7], [sflag:$0x1] =	stream.indirect_vreg.gather [hbm4b:s1+s3], $0x80, v4, vm0, $0xb8;
	[tilespmem:$0x18400] =	vst v63  }
0x55: {  	s23 =	simm.s32 $0x3C00  }
0x56: {  	[tilespmem:s23], [sflag:$0x1] =	stream.indirect_vreg.gather [hbm4b:s1+s3], $0x80, v3, vm0, $0xb8;
	[tilespmem:$0x18400] =	vst v63  }
0x57: {  	v3 =	vld [tilespmem:$0x40];
	_ =	sdelay $0x4  }
0x58: {  	v52 =	vshll.u32 v3, $0x1  }
0x59: {  	v3 =	vand.u32 $0x7, v3;
	v4 =	vand.u32 $0xFFFFFFF0, v52  }
0x5a: {  	v3 =	vor.u32 v3, v4  }
0x5b: {  	v4 =	vperm.xlane v3, v0;
	_ =	sdelay $0x1  }
0x5c: {  	v3 =	vperm.xlane v3, v2;
	v4 =	vadd.s32 v1, v4;
	_ =	sdelay $0x1  }
0x5d: {  	v3 =	vadd.s32 v1, v3;
	_ =	sdelay $0x1  }
0x5e: {  	s24 =	simm.s32 $0x4400  }
0x5f: {  	[tilespmem:s24], [sflag:$0x1] =	stream.indirect_vreg.gather [hbm4b:s1+s3], $0x80, v4, vm0, $0xb8;
	[tilespmem:$0x18400] =	vst v63  }
0x60: {  	s28 =	simm.s32 $0x4C00  }
0x61: {  	[tilespmem:s28], [sflag:$0x1] =	stream.indirect_vreg.gather [hbm4b:s1+s3], $0x80, v3, vm0, $0xb8;
	[tilespmem:$0x18400] =	vst v63  }
0x62: {  	v3 =	vld [tilespmem:$0x50];
	_ =	sdelay $0x4  }
0x63: {  	v53 =	vshll.u32 v3, $0x1  }
0x64: {  	v3 =	vand.u32 $0x7, v3;
	v4 =	vand.u32 $0xFFFFFFF0, v53  }
0x65: {  	v3 =	vor.u32 v3, v4  }
0x66: {  	v4 =	vperm.xlane v3, v0;
	_ =	sdelay $0x1  }
0x67: {  	v3 =	vperm.xlane v3, v2;
	v4 =	vadd.s32 v1, v4;
	_ =	sdelay $0x1  }
0x68: {  	v3 =	vadd.s32 v1, v3;
	_ =	sdelay $0x1  }
0x69: {  	s29 =	simm.s32 $0x5400  }
0x6a: {  	[tilespmem:s29], [sflag:$0x1] =	stream.indirect_vreg.gather [hbm4b:s1+s3], $0x80, v4, vm0, $0xb8;
	[tilespmem:$0x18400] =	vst v63  }
0x6b: {  	s30 =	simm.s32 $0x5C00  }
0x6c: {  	[tilespmem:s30], [sflag:$0x1] =	stream.indirect_vreg.gather [hbm4b:s1+s3], $0x80, v3, vm0, $0xb8;
	[tilespmem:$0x18400] =	vst v63  }
0x6d: {  	v3 =	vld [tilespmem:$0x60];
	_ =	sdelay $0x4  }
0x6e: {  	v54 =	vshll.u32 v3, $0x1  }
0x6f: {  	v3 =	vand.u32 $0x7, v3;
	v4 =	vand.u32 $0xFFFFFFF0, v54  }
0x70: {  	v3 =	vor.u32 v3, v4  }
0x71: {  	v4 =	vperm.xlane v3, v0;
	_ =	sdelay $0x1  }
0x72: {  	v3 =	vperm.xlane v3, v2;
	v4 =	vadd.s32 v1, v4;
	_ =	sdelay $0x1  }
0x73: {  	v3 =	vadd.s32 v1, v3;
	_ =	sdelay $0x1  }
0x74: {  	s31 =	simm.s32 $0x6400  }
0x75: {  	[tilespmem:s31], [sflag:$0x1] =	stream.indirect_vreg.gather [hbm4b:s1+s3], $0x80, v4, vm0, $0xb8;
	[tilespmem:$0x18400] =	vst v63  }
0x76: {  	s7 =	simm.s32 $0x6C00  }
0x77: {  	[tilespmem:s7], [sflag:$0x1] =	stream.indirect_vreg.gather [hbm4b:s1+s3], $0x80, v3, vm0, $0xb8;
	[tilespmem:$0x18400] =	vst v63  }
0x78: {  	v3 =	vld [tilespmem:$0x70];
	_ =	sdelay $0x4  }
0x79: {  	v55 =	vshll.u32 v3, $0x1  }
0x7a: {  	v3 =	vand.u32 $0x7, v3;
	v4 =	vand.u32 $0xFFFFFFF0, v55  }
0x7b: {  	v3 =	vor.u32 v3, v4  }
0x7c: {  	v4 =	vperm.xlane v3, v0;
	_ =	sdelay $0x1  }
0x7d: {  	v3 =	vperm.xlane v3, v2;
	v4 =	vadd.s32 v1, v4;
	_ =	sdelay $0x1  }
0x7e: {  	v3 =	vadd.s32 v1, v3;
	_ =	sdelay $0x1  }
0x7f: {  	s23 =	simm.s32 $0x7400  }
0x80: {  	[tilespmem:s23], [sflag:$0x1] =	stream.indirect_vreg.gather [hbm4b:s1+s3], $0x80, v4, vm0, $0xb8;
	[tilespmem:$0x18400] =	vst v63  }
0x81: {  	s24 =	simm.s32 $0x7C00  }
0x82: {  	[tilespmem:s24], [sflag:$0x1] =	stream.indirect_vreg.gather [hbm4b:s1+s3], $0x80, v3, vm0, $0xb8;
	[tilespmem:$0x18400] =	vst v63  }
0x83: {  	v3 =	vld [tilespmem:$0x80];
	_ =	sdelay $0x4  }
0x84: {  	v56 =	vshll.u32 v3, $0x1  }
0x85: {  	v3 =	vand.u32 $0x7, v3;
	v4 =	vand.u32 $0xFFFFFFF0, v56  }
0x86: {  	v3 =	vor.u32 v3, v4  }
0x87: {  	v4 =	vperm.xlane v3, v0;
	_ =	sdelay $0x1  }
0x88: {  	v3 =	vperm.xlane v3, v2;
	v4 =	vadd.s32 v1, v4;
	_ =	sdelay $0x1  }
0x89: {  	v3 =	vadd.s32 v1, v3;
	_ =	sdelay $0x1  }
0x8a: {  	s28 =	simm.s32 $0x8400  }
0x8b: {  	[tilespmem:s28], [sflag:$0x2] =	stream.indirect_vreg.gather [hbm4b:s1+s3], $0x80, v4, vm0, $0xb8;
	[tilespmem:$0x18400] =	vst v63  }
0x8c: {  	s29 =	simm.s32 $0x8C00  }
0x8d: {  	[tilespmem:s29], [sflag:$0x2] =	stream.indirect_vreg.gather [hbm4b:s1+s3], $0x80, v3, vm0, $0xb8;
	[tilespmem:$0x18400] =	vst v63  }
0x8e: {  	v3 =	vld [tilespmem:$0x90];
	_ =	sdelay $0x4  }
0x8f: {  	v57 =	vshll.u32 v3, $0x1  }
0x90: {  	v3 =	vand.u32 $0x7, v3;
	v4 =	vand.u32 $0xFFFFFFF0, v57  }
0x91: {  	v3 =	vor.u32 v3, v4  }
0x92: {  	v4 =	vperm.xlane v3, v0;
	_ =	sdelay $0x1  }
0x93: {  	v3 =	vperm.xlane v3, v2;
	v4 =	vadd.s32 v1, v4;
	_ =	sdelay $0x1  }
0x94: {  	v3 =	vadd.s32 v1, v3;
	_ =	sdelay $0x1  }
0x95: {  	s30 =	simm.s32 $0x9400  }
0x96: {  	[tilespmem:s30], [sflag:$0x2] =	stream.indirect_vreg.gather [hbm4b:s1+s3], $0x80, v4, vm0, $0xb8;
	[tilespmem:$0x18400] =	vst v63  }
0x97: {  	s31 =	simm.s32 $0x9C00  }
0x98: {  	[tilespmem:s31], [sflag:$0x2] =	stream.indirect_vreg.gather [hbm4b:s1+s3], $0x80, v3, vm0, $0xb8;
	[tilespmem:$0x18400] =	vst v63  }
0x99: {  	v3 =	vld [tilespmem:$0xA0];
	_ =	sdelay $0x4  }
0x9a: {  	v58 =	vshll.u32 v3, $0x1  }
0x9b: {  	v3 =	vand.u32 $0x7, v3;
	v4 =	vand.u32 $0xFFFFFFF0, v58  }
0x9c: {  	v3 =	vor.u32 v3, v4  }
0x9d: {  	v4 =	vperm.xlane v3, v0;
	_ =	sdelay $0x1  }
0x9e: {  	v3 =	vperm.xlane v3, v2;
	v4 =	vadd.s32 v1, v4;
	_ =	sdelay $0x1  }
0x9f: {  	v3 =	vadd.s32 v1, v3;
	_ =	sdelay $0x2  }
0xa0: {  	[tilespmem:s0], [sflag:$0x2] =	stream.indirect_vreg.gather [hbm4b:s1+s3], $0x80, v4, vm0, $0xb8;
	[tilespmem:$0x18400] =	vst v63  }
0xa1: {  	_ = 	snop  }
0xa2: {  	[tilespmem:s2], [sflag:$0x2] =	stream.indirect_vreg.gather [hbm4b:s1+s3], $0x80, v3, vm0, $0xb8;
	[tilespmem:$0x18400] =	vst v63  }
0xa3: {  	v3 =	vld [tilespmem:$0xB0];
	_ =	sdelay $0x4  }
0xa4: {  	v59 =	vshll.u32 v3, $0x1  }
0xa5: {  	v3 =	vand.u32 $0x7, v3;
	v4 =	vand.u32 $0xFFFFFFF0, v59  }
0xa6: {  	v3 =	vor.u32 v3, v4  }
0xa7: {  	v4 =	vperm.xlane v3, v0;
	_ =	sdelay $0x1  }
0xa8: {  	v3 =	vperm.xlane v3, v2;
	v4 =	vadd.s32 v1, v4;
	_ =	sdelay $0x1  }
0xa9: {  	v3 =	vadd.s32 v1, v3;
	_ =	sdelay $0x2  }
0xaa: {  	[tilespmem:s8], [sflag:$0x2] =	stream.indirect_vreg.gather [hbm4b:s1+s3], $0x80, v4, vm0, $0xb8;
	[tilespmem:$0x18400] =	vst v63  }
0xab: {  	_ = 	snop  }
0xac: {  	[tilespmem:s9], [sflag:$0x2] =	stream.indirect_vreg.gather [hbm4b:s1+s3], $0x80, v3, vm0, $0xb8;
	[tilespmem:$0x18400] =	vst v63  }
0xad: {  	v3 =	vld [tilespmem:$0xC0];
	_ =	sdelay $0x4  }
0xae: {  	v60 =	vshll.u32 v3, $0x1  }
0xaf: {  	v3 =	vand.u32 $0x7, v3;
	v4 =	vand.u32 $0xFFFFFFF0, v60  }
0xb0: {  	v3 =	vor.u32 v3, v4  }
0xb1: {  	v4 =	vperm.xlane v3, v0;
	_ =	sdelay $0x1  }
0xb2: {  	v3 =	vperm.xlane v3, v2;
	v4 =	vadd.s32 v1, v4;
	_ =	sdelay $0x1  }
0xb3: {  	v3 =	vadd.s32 v1, v3;
	_ =	sdelay $0x2  }
0xb4: {  	[tilespmem:s11], [sflag:$0x2] =	stream.indirect_vreg.gather [hbm4b:s1+s3], $0x80, v4, vm0, $0xb8;
	[tilespmem:$0x18400] =	vst v63  }
0xb5: {  	_ = 	snop  }
0xb6: {  	[tilespmem:s12], [sflag:$0x2] =	stream.indirect_vreg.gather [hbm4b:s1+s3], $0x80, v3, vm0, $0xb8;
	[tilespmem:$0x18400] =	vst v63  }
0xb7: {  	v3 =	vld [tilespmem:$0xD0];
	_ =	sdelay $0x4  }
0xb8: {  	v61 =	vshll.u32 v3, $0x1  }
0xb9: {  	v3 =	vand.u32 $0x7, v3;
	v4 =	vand.u32 $0xFFFFFFF0, v61  }
0xba: {  	v3 =	vor.u32 v3, v4  }
0xbb: {  	v4 =	vperm.xlane v3, v0;
	_ =	sdelay $0x1  }
0xbc: {  	v3 =	vperm.xlane v3, v2;
	v4 =	vadd.s32 v1, v4;
	_ =	sdelay $0x1  }
0xbd: {  	v3 =	vadd.s32 v1, v3;
	_ =	sdelay $0x2  }
0xbe: {  	[tilespmem:s13], [sflag:$0x2] =	stream.indirect_vreg.gather [hbm4b:s1+s3], $0x80, v4, vm0, $0xb8;
	[tilespmem:$0x18400] =	vst v63  }
0xbf: {  	_ = 	snop  }
0xc0: {  	[tilespmem:s14], [sflag:$0x2] =	stream.indirect_vreg.gather [hbm4b:s1+s3], $0x80, v3, vm0, $0xb8;
	[tilespmem:$0x18400] =	vst v63  }
0xc1: {  	v3 =	vld [tilespmem:$0xE0];
	_ =	sdelay $0x4  }
0xc2: {  	v62 =	vshll.u32 v3, $0x1  }
0xc3: {  	v3 =	vand.u32 $0x7, v3;
	v4 =	vand.u32 $0xFFFFFFF0, v62  }
0xc4: {  	v3 =	vor.u32 v3, v4  }
0xc5: {  	v4 =	vperm.xlane v3, v0;
	_ =	sdelay $0x1  }
0xc6: {  	v3 =	vperm.xlane v3, v2;
	v4 =	vadd.s32 v1, v4;
	_ =	sdelay $0x1  }
0xc7: {  	v3 =	vadd.s32 v1, v3;
	_ =	sdelay $0x2  }
0xc8: {  	[tilespmem:s15], [sflag:$0x2] =	stream.indirect_vreg.gather [hbm4b:s1+s3], $0x80, v4, vm0, $0xb8;
	[tilespmem:$0x18400] =	vst v63  }
0xc9: {  	_ = 	snop  }
0xca: {  	[tilespmem:s16], [sflag:$0x2] =	stream.indirect_vreg.gather [hbm4b:s1+s3], $0x80, v3, vm0, $0xb8;
	[tilespmem:$0x18400] =	vst v63  }
0xcb: {  	v3 =	vld [tilespmem:$0xF0];
	_ =	sdelay $0x4  }
0xcc: {  	v63 =	vshll.u32 v3, $0x1  }
0xcd: {  	v3 =	vand.u32 $0x7, v3;
	v4 =	vand.u32 $0xFFFFFFF0, v63  }
0xce: {  	v3 =	vor.u32 v3, v4  }
0xcf: {  	v4 =	vperm.xlane v3, v0;
	_ =	sdelay $0x1  }
0xd0: {  	v3 =	vperm.xlane v3, v2;
	v4 =	vadd.s32 v1, v4;
	_ =	sdelay $0x1  }
0xd1: {  	v3 =	vadd.s32 v1, v3  }
.Ltmp2:
0xd2: {  	_ = 	snop;
	(pc) =	sbr.rel .LBB2_2-.Ltmp2, $4  }
0xd3: {  	s6 =	smov.u32 s26  }
0xd4: {  	[tilespmem:s17], [sflag:$0x2] =	stream.indirect_vreg.gather [hbm4b:s1+s3], $0x80, v4, vm0, $0xb8;
	[tilespmem:$0x18400] =	vst v63  }
0xd5: {  	s7 =	smov.u32 s25;
	s23 =	simm.s32 $0x2;
	s24 =	simm.s32 $0x170  }
0xd6: {  	[tilespmem:s18], [sflag:$0x2] =	stream.indirect_vreg.gather [hbm4b:s1+s3], $0x80, v3, vm0, $0xb8;
	[tilespmem:$0x18400] =	vst v63  }
.LBB2_4:
0xd7: {  	s29 =	smul.u32 $0xAB, s28;
	_ =	sdelay $0x1  }
0xd8: {  	s29 =	sshrl.u32 s29, $0x9  }
0xd9: {  	s29 =	sand.u32 $0x7F, s29  }
0xda: {  	s29 =	smul.u32 $0x3, s29;
	_ =	sdelay $0x1  }
0xdb: {  	s30 =	ssub.s32 s28, s29  }
0xdc: {  	s28 =	sand.u32 $0xFF, s30  }
0xdd: {  	s30 =	sadd.s32 $0x1, s28  }
0xde: {  	_ =	swait.ge [sflag:s30], $0x8000  }
0xdf: {  	s29 =	sshll.u32 s28, $0xF;
	[sflag:s30] =	ssyncset.done $0x0  }
0xe0: {  	s28 =	sadd.s32 $0x4, s28;
	s31 =	sor.u32 $0x400, s29;
	[sflag:s30] =	ssyncadd.s32 $0xFFFF8000  }
0xe1: {  	[hbm4b:s6+s3] =	stream.linear.scatter [tilespmem:s31], [sflag:s28], $0x400, $0x38;
	[tilespmem:$0x18400] =	vst v63  }
0xe2: {  	s30 =	sor.u32 $0xC00, s29;
	s31 =	sadd.s32 $0x80, s6  }
0xe3: {  	[hbm4b:s31+s3] =	stream.linear.scatter [tilespmem:s30], [sflag:s28], $0x400, $0x38;
	[tilespmem:$0x18400] =	vst v63  }
0xe4: {  	s30 =	sor.u32 $0x1400, s29;
	s31 =	sadd.s32 $0x100, s6  }
0xe5: {  	[hbm4b:s31+s3] =	stream.linear.scatter [tilespmem:s30], [sflag:s28], $0x400, $0x38;
	[tilespmem:$0x18400] =	vst v63  }
0xe6: {  	s30 =	sor.u32 $0x1C00, s29;
	s31 =	sadd.s32 $0x180, s6  }
0xe7: {  	[hbm4b:s31+s3] =	stream.linear.scatter [tilespmem:s30], [sflag:s28], $0x400, $0x38;
	[tilespmem:$0x18400] =	vst v63  }
0xe8: {  	s30 =	sor.u32 $0x2400, s29;
	s31 =	sadd.s32 $0x200, s6  }
0xe9: {  	[hbm4b:s31+s3] =	stream.linear.scatter [tilespmem:s30], [sflag:s28], $0x400, $0x38;
	[tilespmem:$0x18400] =	vst v63  }
0xea: {  	s30 =	sor.u32 $0x2C00, s29;
	s31 =	sadd.s32 $0x280, s6  }
0xeb: {  	[hbm4b:s31+s3] =	stream.linear.scatter [tilespmem:s30], [sflag:s28], $0x400, $0x38;
	[tilespmem:$0x18400] =	vst v63  }
0xec: {  	s30 =	sor.u32 $0x3400, s29;
	s31 =	sadd.s32 $0x300, s6  }
0xed: {  	[hbm4b:s31+s3] =	stream.linear.scatter [tilespmem:s30], [sflag:s28], $0x400, $0x38;
	[tilespmem:$0x18400] =	vst v63  }
0xee: {  	s30 =	sor.u32 $0x3C00, s29;
	s31 =	sadd.s32 $0x380, s6  }
0xef: {  	[hbm4b:s31+s3] =	stream.linear.scatter [tilespmem:s30], [sflag:s28], $0x400, $0x38;
	[tilespmem:$0x18400] =	vst v63  }
0xf0: {  	s30 =	sor.u32 $0x4400, s29;
	s31 =	sadd.s32 $0x400, s6  }
0xf1: {  	[hbm4b:s31+s3] =	stream.linear.scatter [tilespmem:s30], [sflag:s28], $0x400, $0x38;
	[tilespmem:$0x18400] =	vst v63  }
0xf2: {  	s30 =	sor.u32 $0x4C00, s29;
	s31 =	sadd.s32 $0x480, s6  }
0xf3: {  	[hbm4b:s31+s3] =	stream.linear.scatter [tilespmem:s30], [sflag:s28], $0x400, $0x38;
	[tilespmem:$0x18400] =	vst v63  }
0xf4: {  	s30 =	sor.u32 $0x5400, s29;
	s31 =	sadd.s32 $0x500, s6  }
0xf5: {  	[hbm4b:s31+s3] =	stream.linear.scatter [tilespmem:s30], [sflag:s28], $0x400, $0x38;
	[tilespmem:$0x18400] =	vst v63  }
0xf6: {  	s30 =	sor.u32 $0x5C00, s29;
	s31 =	sadd.s32 $0x580, s6  }
0xf7: {  	[hbm4b:s31+s3] =	stream.linear.scatter [tilespmem:s30], [sflag:s28], $0x400, $0x38;
	[tilespmem:$0x18400] =	vst v63  }
0xf8: {  	s30 =	sor.u32 $0x6400, s29;
	s31 =	sadd.s32 $0x600, s6  }
0xf9: {  	[hbm4b:s31+s3] =	stream.linear.scatter [tilespmem:s30], [sflag:s28], $0x400, $0x38;
	[tilespmem:$0x18400] =	vst v63  }
0xfa: {  	s30 =	sor.u32 $0x6C00, s29;
	s31 =	sadd.s32 $0x680, s6  }
0xfb: {  	[hbm4b:s31+s3] =	stream.linear.scatter [tilespmem:s30], [sflag:s28], $0x400, $0x38;
	[tilespmem:$0x18400] =	vst v63  }
0xfc: {  	s30 =	sor.u32 $0x7400, s29;
	s31 =	sadd.s32 $0x700, s6  }
0xfd: {  	[hbm4b:s31+s3] =	stream.linear.scatter [tilespmem:s30], [sflag:s28], $0x400, $0x38;
	[tilespmem:$0x18400] =	vst v63  }
0xfe: {  	s30 =	sor.u32 $0x7C00, s29;
	s31 =	sadd.s32 $0x780, s6  }
0xff: {  	[hbm4b:s31+s3] =	stream.linear.scatter [tilespmem:s30], [sflag:s28], $0x400, $0x38;
	[tilespmem:$0x18400] =	vst v63  }
0x100: {  	s31 =	sor.u32 $0x800, s29  }
0x101: {  	[hbm4b:s7+s3] =	stream.linear.scatter [tilespmem:s31], [sflag:s28], $0x400, $0x38;
	[tilespmem:$0x18400] =	vst v63  }
0x102: {  	s30 =	sor.u32 $0x1000, s29;
	s31 =	sadd.s32 $0x80, s7  }
0x103: {  	[hbm4b:s31+s3] =	stream.linear.scatter [tilespmem:s30], [sflag:s28], $0x400, $0x38;
	[tilespmem:$0x18400] =	vst v63  }
0x104: {  	s30 =	sor.u32 $0x1800, s29;
	s31 =	sadd.s32 $0x100, s7  }
0x105: {  	[hbm4b:s31+s3] =	stream.linear.scatter [tilespmem:s30], [sflag:s28], $0x400, $0x38;
	[tilespmem:$0x18400] =	vst v63  }
0x106: {  	s30 =	sor.u32 $0x2000, s29;
	s31 =	sadd.s32 $0x180, s7  }
0x107: {  	[hbm4b:s31+s3] =	stream.linear.scatter [tilespmem:s30], [sflag:s28], $0x400, $0x38;
	[tilespmem:$0x18400] =	vst v63  }
0x108: {  	s30 =	sor.u32 $0x2800, s29;
	s31 =	sadd.s32 $0x200, s7  }
0x109: {  	[hbm4b:s31+s3] =	stream.linear.scatter [tilespmem:s30], [sflag:s28], $0x400, $0x38;
	[tilespmem:$0x18400] =	vst v63  }
0x10a: {  	s30 =	sor.u32 $0x3000, s29;
	s31 =	sadd.s32 $0x280, s7  }
0x10b: {  	[hbm4b:s31+s3] =	stream.linear.scatter [tilespmem:s30], [sflag:s28], $0x400, $0x38;
	[tilespmem:$0x18400] =	vst v63  }
0x10c: {  	s30 =	sor.u32 $0x3800, s29;
	s31 =	sadd.s32 $0x300, s7  }
0x10d: {  	[hbm4b:s31+s3] =	stream.linear.scatter [tilespmem:s30], [sflag:s28], $0x400, $0x38;
	[tilespmem:$0x18400] =	vst v63  }
0x10e: {  	s30 =	sor.u32 $0x4000, s29;
	s31 =	sadd.s32 $0x380, s7  }
0x10f: {  	[hbm4b:s31+s3] =	stream.linear.scatter [tilespmem:s30], [sflag:s28], $0x400, $0x38;
	[tilespmem:$0x18400] =	vst v63  }
0x110: {  	s30 =	sor.u32 $0x4800, s29;
	s31 =	sadd.s32 $0x400, s7  }
0x111: {  	[hbm4b:s31+s3] =	stream.linear.scatter [tilespmem:s30], [sflag:s28], $0x400, $0x38;
	[tilespmem:$0x18400] =	vst v63  }
0x112: {  	s30 =	sor.u32 $0x5000, s29;
	s31 =	sadd.s32 $0x480, s7  }
0x113: {  	[hbm4b:s31+s3] =	stream.linear.scatter [tilespmem:s30], [sflag:s28], $0x400, $0x38;
	[tilespmem:$0x18400] =	vst v63  }
0x114: {  	s30 =	sor.u32 $0x5800, s29;
	s31 =	sadd.s32 $0x500, s7  }
0x115: {  	[hbm4b:s31+s3] =	stream.linear.scatter [tilespmem:s30], [sflag:s28], $0x400, $0x38;
	[tilespmem:$0x18400] =	vst v63  }
0x116: {  	s30 =	sor.u32 $0x6000, s29;
	s31 =	sadd.s32 $0x580, s7  }
0x117: {  	[hbm4b:s31+s3] =	stream.linear.scatter [tilespmem:s30], [sflag:s28], $0x400, $0x38;
	[tilespmem:$0x18400] =	vst v63  }
0x118: {  	s23 =	sadd.s32 $0x1, s23;
	s30 =	sor.u32 $0x6800, s29;
	s31 =	sadd.s32 $0x600, s7  }
0x119: {  	[hbm4b:s31+s3] =	stream.linear.scatter [tilespmem:s30], [sflag:s28], $0x400, $0x38;
	[tilespmem:$0x18400] =	vst v63  }
0x11a: {  	p0 =	sne.s32 s23, $0xA;
	s30 =	sor.u32 $0x7000, s29;
	s31 =	sadd.s32 $0x680, s7  }
0x11b: {  	[hbm4b:s31+s3] =	stream.linear.scatter [tilespmem:s30], [sflag:s28], $0x400, $0x38;
	[tilespmem:$0x18400] =	vst v63  }
.Ltmp3:
0x11c: {  	s24 =	sadd.s32 $0x80, s24;
	(pc) =	sbr.rel @!p0 .LBB2_5-.Ltmp3, $4  }
0x11d: {  	s6 =	sadd.s32 $0x800, s6;
	s30 =	sor.u32 $0x7800, s29;
	s31 =	sadd.s32 $0x700, s7  }
0x11e: {  	[hbm4b:s31+s3] =	stream.linear.scatter [tilespmem:s30], [sflag:s28], $0x400, $0x38;
	[tilespmem:$0x18400] =	vst v63  }
0x11f: {  	s29 =	sadd.s32 $0x8000, s29;
	s31 =	sadd.s32 $0x780, s7;
	s7 =	sadd.s32 $0x800, s7  }
0x120: {  	[hbm4b:s31+s3] =	stream.linear.scatter [tilespmem:s29], [sflag:s28], $0x400, $0x38;
	[tilespmem:$0x18400] =	vst v63  }
.LBB2_2:
0x121: {  	s28 =	sadd.s32 $0xFFFFFFFE, s23  }
0x122: {  	p0 =	sgt.u32 s28, $0x5  }
.Ltmp4:
0x123: {  	_ = 	snop;
	(pc) =	sbr.rel @p0 .LBB2_4-.Ltmp4, $1  }
0x124: {  	_ =	sdelay $0x3  }
0x125: {  	s29 =	smul.u32 $0xAB, s23;
	_ =	sdelay $0x1  }
0x126: {  	s29 =	sshrl.u32 s29, $0x9  }
0x127: {  	s29 =	sand.u32 $0x7F, s29  }
0x128: {  	s29 =	smul.u32 $0x3, s29;
	_ =	sdelay $0x1  }
0x129: {  	s29 =	ssub.s32 s23, s29  }
0x12a: {  	p0 =	seq.s32 s23, $0x2;
	s30 =	sand.u32 $0xFF, s29  }
0x12b: {  	s29 =	sadd.s32 @!p0 $0x4, s30  }
0x12c: {  	_ =	swait.ge @!p0 [sflag:s29], $0x4000  }
0x12d: {  	[sflag:s29] =	ssyncset.done @!p0 $0x0  }
0x12e: {  	[sflag:s29] =	ssyncadd.s32 @!p0 $0xFFFFC000  }
0x12f: {  	_ =	swait.ge @!p0 [sflag:s29], $0x4000  }
0x130: {  	[sflag:s29] =	ssyncset.done @!p0 $0x0  }
0x131: {  	[sflag:s29] =	ssyncadd.s32 @!p0 $0xFFFFC000  }
0x132: {  	v3 =	vld [tilespmem:s24+$0xFFFFFF90];
	_ =	sdelay $0x4  }
0x133: {  	v4 =	vshll.u32 v3, $0x1  }
0x134: {  	v3 =	vand.u32 $0x7, v3;
	v4 =	vand.u32 $0xFFFFFFF0, v4  }
0x135: {  	v3 =	vor.u32 v3, v4  }
0x136: {  	v4 =	vperm.xlane v3, v0;
	_ =	sdelay $0x1  }
0x137: {  	v3 =	vperm.xlane v3, v2;
	v4 =	vadd.s32 v1, v4;
	_ =	sdelay $0x1  }
0x138: {  	v3 =	vadd.s32 v1, v3  }
0x139: {  	s29 =	sshll.u32 s30, $0xF  }
0x13a: {  	s30 =	sadd.s32 $0x1, s30;
	s31 =	sor.u32 $0x400, s29  }
0x13b: {  	[tilespmem:s31], [sflag:s30] =	stream.indirect_vreg.gather [hbm4b:s1+s3], $0x80, v4, vm0, $0xb8;
	[tilespmem:$0x18400] =	vst v63  }
0x13c: {  	s31 =	sor.u32 $0xC00, s29  }
0x13d: {  	[tilespmem:s31], [sflag:s30] =	stream.indirect_vreg.gather [hbm4b:s1+s3], $0x80, v3, vm0, $0xb8;
	[tilespmem:$0x18400] =	vst v63  }
0x13e: {  	v3 =	vld [tilespmem:s24+$0xFFFFFFA0];
	_ =	sdelay $0x4  }
0x13f: {  	v57 =	vshll.u32 v3, $0x1  }
0x140: {  	v3 =	vand.u32 $0x7, v3;
	v4 =	vand.u32 $0xFFFFFFF0, v57  }
0x141: {  	v3 =	vor.u32 v3, v4  }
0x142: {  	v4 =	vperm.xlane v3, v0;
	_ =	sdelay $0x1  }
0x143: {  	v3 =	vperm.xlane v3, v2;
	v4 =	vadd.s32 v1, v4;
	_ =	sdelay $0x1  }
0x144: {  	v3 =	vadd.s32 v1, v3;
	_ =	sdelay $0x1  }
0x145: {  	s31 =	sor.u32 $0x1400, s29  }
0x146: {  	[tilespmem:s31], [sflag:s30] =	stream.indirect_vreg.gather [hbm4b:s1+s3], $0x80, v4, vm0, $0xb8;
	[tilespmem:$0x18400] =	vst v63  }
0x147: {  	s31 =	sor.u32 $0x1C00, s29  }
0x148: {  	[tilespmem:s31], [sflag:s30] =	stream.indirect_vreg.gather [hbm4b:s1+s3], $0x80, v3, vm0, $0xb8;
	[tilespmem:$0x18400] =	vst v63  }
0x149: {  	v3 =	vld [tilespmem:s24+$0xFFFFFFB0];
	_ =	sdelay $0x4  }
0x14a: {  	v58 =	vshll.u32 v3, $0x1  }
0x14b: {  	v3 =	vand.u32 $0x7, v3;
	v4 =	vand.u32 $0xFFFFFFF0, v58  }
0x14c: {  	v3 =	vor.u32 v3, v4  }
0x14d: {  	v4 =	vperm.xlane v3, v0;
	_ =	sdelay $0x1  }
0x14e: {  	v3 =	vperm.xlane v3, v2;
	v4 =	vadd.s32 v1, v4;
	_ =	sdelay $0x1  }
0x14f: {  	v3 =	vadd.s32 v1, v3;
	_ =	sdelay $0x1  }
0x150: {  	s31 =	sor.u32 $0x2400, s29  }
0x151: {  	[tilespmem:s31], [sflag:s30] =	stream.indirect_vreg.gather [hbm4b:s1+s3], $0x80, v4, vm0, $0xb8;
	[tilespmem:$0x18400] =	vst v63  }
0x152: {  	s31 =	sor.u32 $0x2C00, s29  }
0x153: {  	[tilespmem:s31], [sflag:s30] =	stream.indirect_vreg.gather [hbm4b:s1+s3], $0x80, v3, vm0, $0xb8;
	[tilespmem:$0x18400] =	vst v63  }
0x154: {  	v3 =	vld [tilespmem:s24+$0xFFFFFFC0];
	_ =	sdelay $0x4  }
0x155: {  	v59 =	vshll.u32 v3, $0x1  }
0x156: {  	v3 =	vand.u32 $0x7, v3;
	v4 =	vand.u32 $0xFFFFFFF0, v59  }
0x157: {  	v3 =	vor.u32 v3, v4  }
0x158: {  	v4 =	vperm.xlane v3, v0;
	_ =	sdelay $0x1  }
0x159: {  	v3 =	vperm.xlane v3, v2;
	v4 =	vadd.s32 v1, v4;
	_ =	sdelay $0x1  }
0x15a: {  	v3 =	vadd.s32 v1, v3;
	_ =	sdelay $0x1  }
0x15b: {  	s31 =	sor.u32 $0x3400, s29  }
0x15c: {  	[tilespmem:s31], [sflag:s30] =	stream.indirect_vreg.gather [hbm4b:s1+s3], $0x80, v4, vm0, $0xb8;
	[tilespmem:$0x18400] =	vst v63  }
0x15d: {  	s31 =	sor.u32 $0x3C00, s29  }
0x15e: {  	[tilespmem:s31], [sflag:s30] =	stream.indirect_vreg.gather [hbm4b:s1+s3], $0x80, v3, vm0, $0xb8;
	[tilespmem:$0x18400] =	vst v63  }
0x15f: {  	v3 =	vld [tilespmem:s24+$0xFFFFFFD0];
	_ =	sdelay $0x4  }
0x160: {  	v60 =	vshll.u32 v3, $0x1  }
0x161: {  	v3 =	vand.u32 $0x7, v3;
	v4 =	vand.u32 $0xFFFFFFF0, v60  }
0x162: {  	v3 =	vor.u32 v3, v4  }
0x163: {  	v4 =	vperm.xlane v3, v0;
	_ =	sdelay $0x1  }
0x164: {  	v3 =	vperm.xlane v3, v2;
	v4 =	vadd.s32 v1, v4;
	_ =	sdelay $0x1  }
0x165: {  	v3 =	vadd.s32 v1, v3;
	_ =	sdelay $0x1  }
0x166: {  	s31 =	sor.u32 $0x4400, s29  }
0x167: {  	[tilespmem:s31], [sflag:s30] =	stream.indirect_vreg.gather [hbm4b:s1+s3], $0x80, v4, vm0, $0xb8;
	[tilespmem:$0x18400] =	vst v63  }
0x168: {  	s31 =	sor.u32 $0x4C00, s29  }
0x169: {  	[tilespmem:s31], [sflag:s30] =	stream.indirect_vreg.gather [hbm4b:s1+s3], $0x80, v3, vm0, $0xb8;
	[tilespmem:$0x18400] =	vst v63  }
0x16a: {  	v3 =	vld [tilespmem:s24+$0xFFFFFFE0];
	_ =	sdelay $0x4  }
0x16b: {  	v61 =	vshll.u32 v3, $0x1  }
0x16c: {  	v3 =	vand.u32 $0x7, v3;
	v4 =	vand.u32 $0xFFFFFFF0, v61  }
0x16d: {  	v3 =	vor.u32 v3, v4  }
0x16e: {  	v4 =	vperm.xlane v3, v0;
	_ =	sdelay $0x1  }
0x16f: {  	v3 =	vperm.xlane v3, v2;
	v4 =	vadd.s32 v1, v4;
	_ =	sdelay $0x1  }
0x170: {  	v3 =	vadd.s32 v1, v3;
	_ =	sdelay $0x1  }
0x171: {  	s31 =	sor.u32 $0x5400, s29  }
0x172: {  	[tilespmem:s31], [sflag:s30] =	stream.indirect_vreg.gather [hbm4b:s1+s3], $0x80, v4, vm0, $0xb8;
	[tilespmem:$0x18400] =	vst v63  }
0x173: {  	s31 =	sor.u32 $0x5C00, s29  }
0x174: {  	[tilespmem:s31], [sflag:s30] =	stream.indirect_vreg.gather [hbm4b:s1+s3], $0x80, v3, vm0, $0xb8;
	[tilespmem:$0x18400] =	vst v63  }
0x175: {  	v3 =	vld [tilespmem:s24+$0xFFFFFFF0];
	_ =	sdelay $0x4  }
0x176: {  	v62 =	vshll.u32 v3, $0x1  }
0x177: {  	v3 =	vand.u32 $0x7, v3;
	v4 =	vand.u32 $0xFFFFFFF0, v62  }
0x178: {  	v3 =	vor.u32 v3, v4  }
0x179: {  	v4 =	vperm.xlane v3, v0;
	_ =	sdelay $0x1  }
0x17a: {  	v3 =	vperm.xlane v3, v2;
	v4 =	vadd.s32 v1, v4;
	_ =	sdelay $0x1  }
0x17b: {  	v3 =	vadd.s32 v1, v3;
	_ =	sdelay $0x1  }
0x17c: {  	s31 =	sor.u32 $0x6400, s29  }
0x17d: {  	[tilespmem:s31], [sflag:s30] =	stream.indirect_vreg.gather [hbm4b:s1+s3], $0x80, v4, vm0, $0xb8;
	[tilespmem:$0x18400] =	vst v63  }
0x17e: {  	s31 =	sor.u32 $0x6C00, s29  }
0x17f: {  	[tilespmem:s31], [sflag:s30] =	stream.indirect_vreg.gather [hbm4b:s1+s3], $0x80, v3, vm0, $0xb8;
	[tilespmem:$0x18400] =	vst v63  }
0x180: {  	v3 =	vld [tilespmem:s24+$0x0];
	_ =	sdelay $0x4  }
0x181: {  	v63 =	vshll.u32 v3, $0x1  }
0x182: {  	v3 =	vand.u32 $0x7, v3;
	v4 =	vand.u32 $0xFFFFFFF0, v63  }
0x183: {  	v3 =	vor.u32 v3, v4  }
0x184: {  	v4 =	vperm.xlane v3, v0;
	_ =	sdelay $0x1  }
0x185: {  	v3 =	vperm.xlane v3, v2;
	v4 =	vadd.s32 v1, v4;
	_ =	sdelay $0x1  }
0x186: {  	v3 =	vadd.s32 v1, v3  }
.Ltmp5:
0x187: {  	_ = 	snop;
	(pc) =	sbr.rel .LBB2_4-.Ltmp5, $4  }
0x188: {  	s31 =	sor.u32 $0x7400, s29  }
0x189: {  	[tilespmem:s31], [sflag:s30] =	stream.indirect_vreg.gather [hbm4b:s1+s3], $0x80, v4, vm0, $0xb8;
	[tilespmem:$0x18400] =	vst v63  }
0x18a: {  	s29 =	sor.u32 $0x7C00, s29  }
0x18b: {  	[tilespmem:s29], [sflag:s30] =	stream.indirect_vreg.gather [hbm4b:s1+s3], $0x80, v3, vm0, $0xb8;
	[tilespmem:$0x18400] =	vst v63  }
.LBB2_6:
0x18c: {  	_ =	sfence.sel $0x180000  }
0x18d: {  	[bflag:$0x0] =	sbarrier.arrive $0xFFFF  }
0x18e: {  	_ =	strace $0x90000047  }
0x18f: {  	s0 =	stileid.u32;
	[bflag:$0x2] =	sbarrier.arrive $0xFFFF  }
0x190: {  	p0 =	sne.s32 s0, $0x0;
	s0 =	rddreg [dreg:$0x4]  }
0x191: {  	s0 =	sadd.s32 @!p0 $0x100000, s0  }
0x192: {  	[sflag:s0] =	ssyncadd.tile.s32 @!p0 $0x1;
	_ =	shalt  }
.Lfunc_end2:
_tile_overlayer_lowered:
.L_overlay_start_2:
0x193: {  	(tag) =	ssettag $0x2  }
0x194: {  	s0 =	rddreg [dreg:$0x0];
	s2 =	stileid.u32  }
0x195: {  	s1 =	rddreg [dreg:$0x1];
	p0 =	sne.s32 s2, $0x0  }
0x196: {  	s3 =	rddreg [dreg:$0x2];
	[bflag:$0x3] =	sbarrier.arrive $0xFFFF;
	s2 =	simm.s32 @!p0 $0x1C07  }
0x197: {  	[timem:s3], [sflag:s2] =	dma.local @!p0 [hbm:s0], s1  }
0x198: {  	s0 =	simm.s32 @!p0 $0x7  }
0x199: {  	_ =	swait.ge @!p0 [sflag:s0], s1  }
0x19a: {  	s1 =	ssub.s32 @!p0 $0x0, s1;
	[sflag:s0] =	ssyncset.done @!p0 $0x0  }
0x19b: {  	[sflag:s0] =	ssyncadd.s32 @!p0 s1  }
0x19c: {  	[bflag:$0x3] =	sbarrier.arrive $0xFFFF  }
0x19d: {  	_ =	shalt  }

</sc_bundles>
